<compile_context>
chip_gen: v7x
topology: tpu7x:2x2x1
jax: 0.10.2.dev20260603
libtpu: 0.0.44.dev20260713+nightly
codegen_flags: <defaults>
</compile_context>

<pallas_src>
import jax
import jax.numpy as jnp
from jax import lax
from jax.experimental import pallas as pl
from jax.experimental.pallas import tpu as pltpu
from jax.experimental.pallas import tpu_sc as plsc

F = 26
V = 100000
D = 32
B = 4096
NC = 2
NS = 16
NW = NC * NS
BPW = B // NW
L = 16


def _sc_body(xcat_t_hbm, tab_hbm, out_hbm, idx_v, acc_v, sem0, sem):
    c = lax.axis_index("c")
    s = lax.axis_index("s")
    wid = s * NC + c
    base = wid * BPW

    pltpu.sync_copy(xcat_t_hbm.at[:, pl.ds(base, BPW)], idx_v)

    pltpu.async_copy(tab_hbm.at[0].at[idx_v.at[0]], acc_v, sem0).wait()

    for j in range(1, F):
        pltpu.async_copy(tab_hbm.at[j].at[idx_v.at[j]], acc_v, sem, add=True)
    for j in range(1, F):
        pltpu.make_async_copy(tab_hbm.at[j].at[idx_v.at[j]], acc_v, sem).wait()

    pltpu.sync_copy(acc_v, out_hbm.at[pl.ds(base, BPW), :])


@jax.jit
def kernel(x_cat, tables):
    xcat_t = x_cat.T
    mesh = plsc.VectorSubcoreMesh(core_axis_name="c", subcore_axis_name="s")
    run = pl.kernel(
        _sc_body,
        out_type=jax.ShapeDtypeStruct((B, D), jnp.float32),
        mesh=mesh,
        scratch_types=[
            pltpu.VMEM((F, BPW), jnp.int32),
            pltpu.VMEM((BPW, D), jnp.float32),
            pltpu.SemaphoreType.DMA,
            pltpu.SemaphoreType.DMA,
        ],
        compiler_params=pltpu.CompilerParams(use_tc_tiling_on_sc=False),
    )
    return run(xcat_t, tables)

# --- scband reference (transcript-rebuilt; emitter-appended) ---
"""Pipeline reference for scband-cat-feature-encoder-18588618457329 (READ-ONLY COPY).

The authoritative reference and input builder live on the scoring server;
editing this copy changes nothing except your own understanding.
"""

import jax, jax.numpy as jnp
import numpy as np

NUM_FIELDS = 26
VOCAB = 100000
EMB_DIM = 32
BATCH = 4096


def setup_inputs(seed: int = 0) -> dict:
    key = jax.random.key(seed)
    k_idx, k_tab = jax.random.split(key)
    x_cat = jax.random.randint(k_idx, (BATCH, NUM_FIELDS), 0, VOCAB, dtype=jnp.int32)
    # One embedding table per categorical field, stacked: [F, V, D]
    tables = jax.random.normal(k_tab, (NUM_FIELDS, VOCAB, EMB_DIM), dtype=jnp.float32) * 0.01
    return {"x_cat": x_cat, "tables": tables}


def reference(x_cat, tables):
    # out = sum_j Embedding_j(x_cat[:, j])
    # Vectorized over fields: gather per-field rows then reduce over field axis.
    def gather_field(table_j, idx_j):
        return jnp.take(table_j, idx_j, axis=0)  # [B, D]

    per_field = jax.vmap(gather_field, in_axes=(0, 1))(tables, x_cat)  # [F, B, D]
    out = jnp.sum(per_field, axis=0)  # [B, D]
    return out

if __name__ == "__main__":
    import jax
    _d = setup_inputs()
    print(jax.jit(kernel)(*tuple(_d.values())))

</pallas_src>

<mosaic_0001>
#map = affine_map<(d0, d1) -> (0, 0)>
#map1 = affine_map<(d0, d1) -> (0, 0, 0)>
module attributes {stable_mosaic.version = 14 : i64} {
  func.func @_sc_body(%arg0: i32, %arg1: i32, %arg2: memref<26x4096xi32, #tpu.memory_space<hbm>>, %arg3: memref<26x100000x32xf32, #tpu.memory_space<hbm>>, %arg4: memref<4096x32xf32, #tpu.memory_space<hbm>>, %arg5: memref<26x128xi32, #tpu.memory_space<vmem>>, %arg6: memref<128x32xf32, #tpu.memory_space<vmem>>, %arg7: memref<!tpu.dma_semaphore, #tpu.memory_space<semaphore_mem>>, %arg8: memref<!tpu.dma_semaphore, #tpu.memory_space<semaphore_mem>>) attributes {dimension_semantics = [#tpu.dimension_semantics<core_parallel>, #tpu.dimension_semantics<subcore_parallel>], iteration_bounds = array<i64: 2, 16>, scalar_prefetch = 0 : i64, scratch_operands = 4 : i64, tpu.core_type = #tpu.core_type<sc_vector_subcore>, window_params = [{transform_indices = #map}, {transform_indices = #map1}, {transform_indices = #map}]} {
    %mul3A = arith.constant 2 : i32
    %mul3A_0 = arith.muli %arg1, %mul3A : i32
    %add3A = arith.addi %mul3A_0, %arg0 : i32
    %mul3A_1 = arith.constant 128 : i32
    %mul3A_2 = arith.muli %add3A, %mul3A_1 : i32
    "tpu.region"() ({
      %run_scoped3A = tpu.sem_alloc : memref<!tpu.dma_semaphore, #tpu.memory_space<semaphore_mem>>
      %dma_start3A_625 = arith.constant 0 : i32
      %dma_start3A_626 = tpu.memref_slice %arg2[%dma_start3A_625, %mul3A_2] : memref<26x4096xi32, #tpu.memory_space<hbm>> -> memref<26x128xi32, #tpu.memory_space<hbm>>
      %dma_start3A_627 = arith.constant 0 : i32
      %dma_start3A_628 = tpu.memref_slice %arg2[%dma_start3A_627, %mul3A_2] : memref<26x4096xi32, #tpu.memory_space<hbm>> -> memref<26x128xi32, #tpu.memory_space<hbm>>
      tpu.enqueue_dma source(%dma_start3A_628 : memref<26x128xi32, #tpu.memory_space<hbm>>) target(%arg5 : memref<26x128xi32, #tpu.memory_space<vmem>>) target_semaphore(%run_scoped3A : memref<!tpu.dma_semaphore, #tpu.memory_space<semaphore_mem>>)
      %dma_wait3A_629 = arith.constant 0 : i32
      %dma_wait3A_630 = tpu.memref_slice %arg2[%dma_wait3A_629, %mul3A_2] : memref<26x4096xi32, #tpu.memory_space<hbm>> -> memref<26x128xi32, #tpu.memory_space<hbm>>
      %dma_wait3A_631 = arith.constant 0 : i32
      %dma_wait3A_632 = tpu.memref_slice %arg2[%dma_wait3A_631, %mul3A_2] : memref<26x4096xi32, #tpu.memory_space<hbm>> -> memref<26x128xi32, #tpu.memory_space<hbm>>
      tpu.wait_dma2 semaphore(%run_scoped3A : memref<!tpu.dma_semaphore, #tpu.memory_space<semaphore_mem>>) src(%dma_wait3A_632 : memref<26x128xi32, #tpu.memory_space<hbm>>) dst(%arg5 : memref<26x128xi32, #tpu.memory_space<vmem>>)
      tpu.yield
    }) : () -> ()
    %dma_start3A = arith.constant 0 : i32
    %dma_start3A_3 = arith.constant 0 : i32
    %dma_start3A_4 = arith.constant 0 : i32
    %dma_start3A_5 = tpu.memref_slice %arg5[%dma_start3A_3, %dma_start3A_4] : memref<26x128xi32, #tpu.memory_space<vmem>> -> memref<1x128xi32, #tpu.memory_space<vmem>>
    %dma_start3A_6 = tpu.memref_squeeze %dma_start3A_5 : memref<1x128xi32, #tpu.memory_space<vmem>> -> memref<128xi32, #tpu.memory_space<vmem>>
    %dma_start3A_7 = arith.constant 0 : i32
    %dma_start3A_8 = arith.constant 0 : i32
    %dma_start3A_9 = tpu.memref_slice %arg3[%dma_start3A, %dma_start3A_7, %dma_start3A_8] : memref<26x100000x32xf32, #tpu.memory_space<hbm>> -> memref<1x100000x32xf32, #tpu.memory_space<hbm>>
    %dma_start3A_10 = tpu.memref_squeeze %dma_start3A_9 : memref<1x100000x32xf32, #tpu.memory_space<hbm>> -> memref<100000x32xf32, #tpu.memory_space<hbm>>
    %dma_start3A_11 = arith.constant 0 : i32
    %dma_start3A_12 = arith.constant 0 : i32
    %dma_start3A_13 = tpu.memref_slice %dma_start3A_10[%dma_start3A_11, %dma_start3A_12] : memref<100000x32xf32, #tpu.memory_space<hbm>> -> memref<100000x32xf32, #tpu.memory_space<hbm>>
    tpu.enqueue_indirect_dma source(%dma_start3A_13 : memref<100000x32xf32, #tpu.memory_space<hbm>>) target(%arg6 : memref<128x32xf32, #tpu.memory_space<vmem>>) offsets(%dma_start3A_6 : memref<128xi32, #tpu.memory_space<vmem>>) semaphore(%arg7 : memref<!tpu.dma_semaphore, #tpu.memory_space<semaphore_mem>>)
    %dma_wait3A = arith.constant 0 : i32
    %dma_wait3A_14 = arith.constant 0 : i32
    %dma_wait3A_15 = arith.constant 0 : i32
    %dma_wait3A_16 = tpu.memref_slice %arg5[%dma_wait3A_14, %dma_wait3A_15] : memref<26x128xi32, #tpu.memory_space<vmem>> -> memref<1x128xi32, #tpu.memory_space<vmem>>
    %dma_wait3A_17 = tpu.memref_squeeze %dma_wait3A_16 : memref<1x128xi32, #tpu.memory_space<vmem>> -> memref<128xi32, #tpu.memory_space<vmem>>
    %dma_wait3A_18 = arith.constant 0 : i32
    %dma_wait3A_19 = arith.constant 0 : i32
    %dma_wait3A_20 = tpu.memref_slice %arg3[%dma_wait3A, %dma_wait3A_18, %dma_wait3A_19] : memref<26x100000x32xf32, #tpu.memory_space<hbm>> -> memref<1x100000x32xf32, #tpu.memory_space<hbm>>
    %dma_wait3A_21 = tpu.memref_squeeze %dma_wait3A_20 : memref<1x100000x32xf32, #tpu.memory_space<hbm>> -> memref<100000x32xf32, #tpu.memory_space<hbm>>
    %dma_wait3A_22 = arith.constant 0 : i32
    %dma_wait3A_23 = arith.constant 0 : i32
    %dma_wait3A_24 = tpu.memref_slice %dma_wait3A_21[%dma_wait3A_22, %dma_wait3A_23] : memref<100000x32xf32, #tpu.memory_space<hbm>> -> memref<100000x32xf32, #tpu.memory_space<hbm>>
    tpu.wait_indirect_dma semaphore(%arg7 : memref<!tpu.dma_semaphore, #tpu.memory_space<semaphore_mem>>) src(%dma_wait3A_24 : memref<100000x32xf32, #tpu.memory_space<hbm>>) dst(%arg6 : memref<128x32xf32, #tpu.memory_space<vmem>>)
    %dma_start3A_25 = arith.constant 1 : i32
    %dma_start3A_26 = arith.constant 1 : i32
    %dma_start3A_27 = arith.constant 0 : i32
    %dma_start3A_28 = tpu.memref_slice %arg5[%dma_start3A_26, %dma_start3A_27] : memref<26x128xi32, #tpu.memory_space<vmem>> -> memref<1x128xi32, #tpu.memory_space<vmem>>
    %dma_start3A_29 = tpu.memref_squeeze %dma_start3A_28 : memref<1x128xi32, #tpu.memory_space<vmem>> -> memref<128xi32, #tpu.memory_space<vmem>>
    %dma_start3A_30 = arith.constant 0 : i32
    %dma_start3A_31 = arith.constant 0 : i32
    %dma_start3A_32 = tpu.memref_slice %arg3[%dma_start3A_25, %dma_start3A_30, %dma_start3A_31] : memref<26x100000x32xf32, #tpu.memory_space<hbm>> -> memref<1x100000x32xf32, #tpu.memory_space<hbm>>
    %dma_start3A_33 = tpu.memref_squeeze %dma_start3A_32 : memref<1x100000x32xf32, #tpu.memory_space<hbm>> -> memref<100000x32xf32, #tpu.memory_space<hbm>>
    %dma_start3A_34 = arith.constant 0 : i32
    %dma_start3A_35 = arith.constant 0 : i32
    %dma_start3A_36 = tpu.memref_slice %dma_start3A_33[%dma_start3A_34, %dma_start3A_35] : memref<100000x32xf32, #tpu.memory_space<hbm>> -> memref<100000x32xf32, #tpu.memory_space<hbm>>
    tpu.enqueue_indirect_dma source(%dma_start3A_36 : memref<100000x32xf32, #tpu.memory_space<hbm>>) target(%arg6 : memref<128x32xf32, #tpu.memory_space<vmem>>) offsets(%dma_start3A_29 : memref<128xi32, #tpu.memory_space<vmem>>) semaphore(%arg8 : memref<!tpu.dma_semaphore, #tpu.memory_space<semaphore_mem>>) {add = true}
    %dma_start3A_37 = arith.constant 2 : i32
    %dma_start3A_38 = arith.constant 2 : i32
    %dma_start3A_39 = arith.constant 0 : i32
    %dma_start3A_40 = tpu.memref_slice %arg5[%dma_start3A_38, %dma_start3A_39] : memref<26x128xi32, #tpu.memory_space<vmem>> -> memref<1x128xi32, #tpu.memory_space<vmem>>
    %dma_start3A_41 = tpu.memref_squeeze %dma_start3A_40 : memref<1x128xi32, #tpu.memory_space<vmem>> -> memref<128xi32, #tpu.memory_space<vmem>>
    %dma_start3A_42 = arith.constant 0 : i32
    %dma_start3A_43 = arith.constant 0 : i32
    %dma_start3A_44 = tpu.memref_slice %arg3[%dma_start3A_37, %dma_start3A_42, %dma_start3A_43] : memref<26x100000x32xf32, #tpu.memory_space<hbm>> -> memref<1x100000x32xf32, #tpu.memory_space<hbm>>
    %dma_start3A_45 = tpu.memref_squeeze %dma_start3A_44 : memref<1x100000x32xf32, #tpu.memory_space<hbm>> -> memref<100000x32xf32, #tpu.memory_space<hbm>>
    %dma_start3A_46 = arith.constant 0 : i32
    %dma_start3A_47 = arith.constant 0 : i32
    %dma_start3A_48 = tpu.memref_slice %dma_start3A_45[%dma_start3A_46, %dma_start3A_47] : memref<100000x32xf32, #tpu.memory_space<hbm>> -> memref<100000x32xf32, #tpu.memory_space<hbm>>
    tpu.enqueue_indirect_dma source(%dma_start3A_48 : memref<100000x32xf32, #tpu.memory_space<hbm>>) target(%arg6 : memref<128x32xf32, #tpu.memory_space<vmem>>) offsets(%dma_start3A_41 : memref<128xi32, #tpu.memory_space<vmem>>) semaphore(%arg8 : memref<!tpu.dma_semaphore, #tpu.memory_space<semaphore_mem>>) {add = true}
    %dma_start3A_49 = arith.constant 3 : i32
    %dma_start3A_50 = arith.constant 3 : i32
    %dma_start3A_51 = arith.constant 0 : i32
    %dma_start3A_52 = tpu.memref_slice %arg5[%dma_start3A_50, %dma_start3A_51] : memref<26x128xi32, #tpu.memory_space<vmem>> -> memref<1x128xi32, #tpu.memory_space<vmem>>
    %dma_start3A_53 = tpu.memref_squeeze %dma_start3A_52 : memref<1x128xi32, #tpu.memory_space<vmem>> -> memref<128xi32, #tpu.memory_space<vmem>>
    %dma_start3A_54 = arith.constant 0 : i32
    %dma_start3A_55 = arith.constant 0 : i32
    %dma_start3A_56 = tpu.memref_slice %arg3[%dma_start3A_49, %dma_start3A_54, %dma_start3A_55] : memref<26x100000x32xf32, #tpu.memory_space<hbm>> -> memref<1x100000x32xf32, #tpu.memory_space<hbm>>
    %dma_start3A_57 = tpu.memref_squeeze %dma_start3A_56 : memref<1x100000x32xf32, #tpu.memory_space<hbm>> -> memref<100000x32xf32, #tpu.memory_space<hbm>>
    %dma_start3A_58 = arith.constant 0 : i32
    %dma_start3A_59 = arith.constant 0 : i32
    %dma_start3A_60 = tpu.memref_slice %dma_start3A_57[%dma_start3A_58, %dma_start3A_59] : memref<100000x32xf32, #tpu.memory_space<hbm>> -> memref<100000x32xf32, #tpu.memory_space<hbm>>
    tpu.enqueue_indirect_dma source(%dma_start3A_60 : memref<100000x32xf32, #tpu.memory_space<hbm>>) target(%arg6 : memref<128x32xf32, #tpu.memory_space<vmem>>) offsets(%dma_start3A_53 : memref<128xi32, #tpu.memory_space<vmem>>) semaphore(%arg8 : memref<!tpu.dma_semaphore, #tpu.memory_space<semaphore_mem>>) {add = true}
    %dma_start3A_61 = arith.constant 4 : i32
    %dma_start3A_62 = arith.constant 4 : i32
    %dma_start3A_63 = arith.constant 0 : i32
    %dma_start3A_64 = tpu.memref_slice %arg5[%dma_start3A_62, %dma_start3A_63] : memref<26x128xi32, #tpu.memory_space<vmem>> -> memref<1x128xi32, #tpu.memory_space<vmem>>
    %dma_start3A_65 = tpu.memref_squeeze %dma_start3A_64 : memref<1x128xi32, #tpu.memory_space<vmem>> -> memref<128xi32, #tpu.memory_space<vmem>>
    %dma_start3A_66 = arith.constant 0 : i32
    %dma_start3A_67 = arith.constant 0 : i32
    %dma_start3A_68 = tpu.memref_slice %arg3[%dma_start3A_61, %dma_start3A_66, %dma_start3A_67] : memref<26x100000x32xf32, #tpu.memory_space<hbm>> -> memref<1x100000x32xf32, #tpu.memory_space<hbm>>
    %dma_start3A_69 = tpu.memref_squeeze %dma_start3A_68 : memref<1x100000x32xf32, #tpu.memory_space<hbm>> -> memref<100000x32xf32, #tpu.memory_space<hbm>>
    %dma_start3A_70 = arith.constant 0 : i32
    %dma_start3A_71 = arith.constant 0 : i32
    %dma_start3A_72 = tpu.memref_slice %dma_start3A_69[%dma_start3A_70, %dma_start3A_71] : memref<100000x32xf32, #tpu.memory_space<hbm>> -> memref<100000x32xf32, #tpu.memory_space<hbm>>
    tpu.enqueue_indirect_dma source(%dma_start3A_72 : memref<100000x32xf32, #tpu.memory_space<hbm>>) target(%arg6 : memref<128x32xf32, #tpu.memory_space<vmem>>) offsets(%dma_start3A_65 : memref<128xi32, #tpu.memory_space<vmem>>) semaphore(%arg8 : memref<!tpu.dma_semaphore, #tpu.memory_space<semaphore_mem>>) {add = true}
    %dma_start3A_73 = arith.constant 5 : i32
    %dma_start3A_74 = arith.constant 5 : i32
    %dma_start3A_75 = arith.constant 0 : i32
    %dma_start3A_76 = tpu.memref_slice %arg5[%dma_start3A_74, %dma_start3A_75] : memref<26x128xi32, #tpu.memory_space<vmem>> -> memref<1x128xi32, #tpu.memory_space<vmem>>
    %dma_start3A_77 = tpu.memref_squeeze %dma_start3A_76 : memref<1x128xi32, #tpu.memory_space<vmem>> -> memref<128xi32, #tpu.memory_space<vmem>>
    %dma_start3A_78 = arith.constant 0 : i32
    %dma_start3A_79 = arith.constant 0 : i32
    %dma_start3A_80 = tpu.memref_slice %arg3[%dma_start3A_73, %dma_start3A_78, %dma_start3A_79] : memref<26x100000x32xf32, #tpu.memory_space<hbm>> -> memref<1x100000x32xf32, #tpu.memory_space<hbm>>
    %dma_start3A_81 = tpu.memref_squeeze %dma_start3A_80 : memref<1x100000x32xf32, #tpu.memory_space<hbm>> -> memref<100000x32xf32, #tpu.memory_space<hbm>>
    %dma_start3A_82 = arith.constant 0 : i32
    %dma_start3A_83 = arith.constant 0 : i32
    %dma_start3A_84 = tpu.memref_slice %dma_start3A_81[%dma_start3A_82, %dma_start3A_83] : memref<100000x32xf32, #tpu.memory_space<hbm>> -> memref<100000x32xf32, #tpu.memory_space<hbm>>
    tpu.enqueue_indirect_dma source(%dma_start3A_84 : memref<100000x32xf32, #tpu.memory_space<hbm>>) target(%arg6 : memref<128x32xf32, #tpu.memory_space<vmem>>) offsets(%dma_start3A_77 : memref<128xi32, #tpu.memory_space<vmem>>) semaphore(%arg8 : memref<!tpu.dma_semaphore, #tpu.memory_space<semaphore_mem>>) {add = true}
    %dma_start3A_85 = arith.constant 6 : i32
    %dma_start3A_86 = arith.constant 6 : i32
    %dma_start3A_87 = arith.constant 0 : i32
    %dma_start3A_88 = tpu.memref_slice %arg5[%dma_start3A_86, %dma_start3A_87] : memref<26x128xi32, #tpu.memory_space<vmem>> -> memref<1x128xi32, #tpu.memory_space<vmem>>
    %dma_start3A_89 = tpu.memref_squeeze %dma_start3A_88 : memref<1x128xi32, #tpu.memory_space<vmem>> -> memref<128xi32, #tpu.memory_space<vmem>>
    %dma_start3A_90 = arith.constant 0 : i32
    %dma_start3A_91 = arith.constant 0 : i32
    %dma_start3A_92 = tpu.memref_slice %arg3[%dma_start3A_85, %dma_start3A_90, %dma_start3A_91] : memref<26x100000x32xf32, #tpu.memory_space<hbm>> -> memref<1x100000x32xf32, #tpu.memory_space<hbm>>
    %dma_start3A_93 = tpu.memref_squeeze %dma_start3A_92 : memref<1x100000x32xf32, #tpu.memory_space<hbm>> -> memref<100000x32xf32, #tpu.memory_space<hbm>>
    %dma_start3A_94 = arith.constant 0 : i32
    %dma_start3A_95 = arith.constant 0 : i32
    %dma_start3A_96 = tpu.memref_slice %dma_start3A_93[%dma_start3A_94, %dma_start3A_95] : memref<100000x32xf32, #tpu.memory_space<hbm>> -> memref<100000x32xf32, #tpu.memory_space<hbm>>
    tpu.enqueue_indirect_dma source(%dma_start3A_96 : memref<100000x32xf32, #tpu.memory_space<hbm>>) target(%arg6 : memref<128x32xf32, #tpu.memory_space<vmem>>) offsets(%dma_start3A_89 : memref<128xi32, #tpu.memory_space<vmem>>) semaphore(%arg8 : memref<!tpu.dma_semaphore, #tpu.memory_space<semaphore_mem>>) {add = true}
    %dma_start3A_97 = arith.constant 7 : i32
    %dma_start3A_98 = arith.constant 7 : i32
    %dma_start3A_99 = arith.constant 0 : i32
    %dma_start3A_100 = tpu.memref_slice %arg5[%dma_start3A_98, %dma_start3A_99] : memref<26x128xi32, #tpu.memory_space<vmem>> -> memref<1x128xi32, #tpu.memory_space<vmem>>
    %dma_start3A_101 = tpu.memref_squeeze %dma_start3A_100 : memref<1x128xi32, #tpu.memory_space<vmem>> -> memref<128xi32, #tpu.memory_space<vmem>>
    %dma_start3A_102 = arith.constant 0 : i32
    %dma_start3A_103 = arith.constant 0 : i32
    %dma_start3A_104 = tpu.memref_slice %arg3[%dma_start3A_97, %dma_start3A_102, %dma_start3A_103] : memref<26x100000x32xf32, #tpu.memory_space<hbm>> -> memref<1x100000x32xf32, #tpu.memory_space<hbm>>
    %dma_start3A_105 = tpu.memref_squeeze %dma_start3A_104 : memref<1x100000x32xf32, #tpu.memory_space<hbm>> -> memref<100000x32xf32, #tpu.memory_space<hbm>>
    %dma_start3A_106 = arith.constant 0 : i32
    %dma_start3A_107 = arith.constant 0 : i32
    %dma_start3A_108 = tpu.memref_slice %dma_start3A_105[%dma_start3A_106, %dma_start3A_107] : memref<100000x32xf32, #tpu.memory_space<hbm>> -> memref<100000x32xf32, #tpu.memory_space<hbm>>
    tpu.enqueue_indirect_dma source(%dma_start3A_108 : memref<100000x32xf32, #tpu.memory_space<hbm>>) target(%arg6 : memref<128x32xf32, #tpu.memory_space<vmem>>) offsets(%dma_start3A_101 : memref<128xi32, #tpu.memory_space<vmem>>) semaphore(%arg8 : memref<!tpu.dma_semaphore, #tpu.memory_space<semaphore_mem>>) {add = true}
    %dma_start3A_109 = arith.constant 8 : i32
    %dma_start3A_110 = arith.constant 8 : i32
    %dma_start3A_111 = arith.constant 0 : i32
    %dma_start3A_112 = tpu.memref_slice %arg5[%dma_start3A_110, %dma_start3A_111] : memref<26x128xi32, #tpu.memory_space<vmem>> -> memref<1x128xi32, #tpu.memory_space<vmem>>
    %dma_start3A_113 = tpu.memref_squeeze %dma_start3A_112 : memref<1x128xi32, #tpu.memory_space<vmem>> -> memref<128xi32, #tpu.memory_space<vmem>>
    %dma_start3A_114 = arith.constant 0 : i32
    %dma_start3A_115 = arith.constant 0 : i32
    %dma_start3A_116 = tpu.memref_slice %arg3[%dma_start3A_109, %dma_start3A_114, %dma_start3A_115] : memref<26x100000x32xf32, #tpu.memory_space<hbm>> -> memref<1x100000x32xf32, #tpu.memory_space<hbm>>
    %dma_start3A_117 = tpu.memref_squeeze %dma_start3A_116 : memref<1x100000x32xf32, #tpu.memory_space<hbm>> -> memref<100000x32xf32, #tpu.memory_space<hbm>>
    %dma_start3A_118 = arith.constant 0 : i32
    %dma_start3A_119 = arith.constant 0 : i32
    %dma_start3A_120 = tpu.memref_slice %dma_start3A_117[%dma_start3A_118, %dma_start3A_119] : memref<100000x32xf32, #tpu.memory_space<hbm>> -> memref<100000x32xf32, #tpu.memory_space<hbm>>
    tpu.enqueue_indirect_dma source(%dma_start3A_120 : memref<100000x32xf32, #tpu.memory_space<hbm>>) target(%arg6 : memref<128x32xf32, #tpu.memory_space<vmem>>) offsets(%dma_start3A_113 : memref<128xi32, #tpu.memory_space<vmem>>) semaphore(%arg8 : memref<!tpu.dma_semaphore, #tpu.memory_space<semaphore_mem>>) {add = true}
    %dma_start3A_121 = arith.constant 9 : i32
    %dma_start3A_122 = arith.constant 9 : i32
    %dma_start3A_123 = arith.constant 0 : i32
    %dma_start3A_124 = tpu.memref_slice %arg5[%dma_start3A_122, %dma_start3A_123] : memref<26x128xi32, #tpu.memory_space<vmem>> -> memref<1x128xi32, #tpu.memory_space<vmem>>
    %dma_start3A_125 = tpu.memref_squeeze %dma_start3A_124 : memref<1x128xi32, #tpu.memory_space<vmem>> -> memref<128xi32, #tpu.memory_space<vmem>>
    %dma_start3A_126 = arith.constant 0 : i32
    %dma_start3A_127 = arith.constant 0 : i32
    %dma_start3A_128 = tpu.memref_slice %arg3[%dma_start3A_121, %dma_start3A_126, %dma_start3A_127] : memref<26x100000x32xf32, #tpu.memory_space<hbm>> -> memref<1x100000x32xf32, #tpu.memory_space<hbm>>
    %dma_start3A_129 = tpu.memref_squeeze %dma_start3A_128 : memref<1x100000x32xf32, #tpu.memory_space<hbm>> -> memref<100000x32xf32, #tpu.memory_space<hbm>>
    %dma_start3A_130 = arith.constant 0 : i32
    %dma_start3A_131 = arith.constant 0 : i32
    %dma_start3A_132 = tpu.memref_slice %dma_start3A_129[%dma_start3A_130, %dma_start3A_131] : memref<100000x32xf32, #tpu.memory_space<hbm>> -> memref<100000x32xf32, #tpu.memory_space<hbm>>
    tpu.enqueue_indirect_dma source(%dma_start3A_132 : memref<100000x32xf32, #tpu.memory_space<hbm>>) target(%arg6 : memref<128x32xf32, #tpu.memory_space<vmem>>) offsets(%dma_start3A_125 : memref<128xi32, #tpu.memory_space<vmem>>) semaphore(%arg8 : memref<!tpu.dma_semaphore, #tpu.memory_space<semaphore_mem>>) {add = true}
    %dma_start3A_133 = arith.constant 10 : i32
    %dma_start3A_134 = arith.constant 10 : i32
    %dma_start3A_135 = arith.constant 0 : i32
    %dma_start3A_136 = tpu.memref_slice %arg5[%dma_start3A_134, %dma_start3A_135] : memref<26x128xi32, #tpu.memory_space<vmem>> -> memref<1x128xi32, #tpu.memory_space<vmem>>
    %dma_start3A_137 = tpu.memref_squeeze %dma_start3A_136 : memref<1x128xi32, #tpu.memory_space<vmem>> -> memref<128xi32, #tpu.memory_space<vmem>>
    %dma_start3A_138 = arith.constant 0 : i32
    %dma_start3A_139 = arith.constant 0 : i32
    %dma_start3A_140 = tpu.memref_slice %arg3[%dma_start3A_133, %dma_start3A_138, %dma_start3A_139] : memref<26x100000x32xf32, #tpu.memory_space<hbm>> -> memref<1x100000x32xf32, #tpu.memory_space<hbm>>
    %dma_start3A_141 = tpu.memref_squeeze %dma_start3A_140 : memref<1x100000x32xf32, #tpu.memory_space<hbm>> -> memref<100000x32xf32, #tpu.memory_space<hbm>>
    %dma_start3A_142 = arith.constant 0 : i32
    %dma_start3A_143 = arith.constant 0 : i32
    %dma_start3A_144 = tpu.memref_slice %dma_start3A_141[%dma_start3A_142, %dma_start3A_143] : memref<100000x32xf32, #tpu.memory_space<hbm>> -> memref<100000x32xf32, #tpu.memory_space<hbm>>
    tpu.enqueue_indirect_dma source(%dma_start3A_144 : memref<100000x32xf32, #tpu.memory_space<hbm>>) target(%arg6 : memref<128x32xf32, #tpu.memory_space<vmem>>) offsets(%dma_start3A_137 : memref<128xi32, #tpu.memory_space<vmem>>) semaphore(%arg8 : memref<!tpu.dma_semaphore, #tpu.memory_space<semaphore_mem>>) {add = true}
    %dma_start3A_145 = arith.constant 11 : i32
    %dma_start3A_146 = arith.constant 11 : i32
    %dma_start3A_147 = arith.constant 0 : i32
    %dma_start3A_148 = tpu.memref_slice %arg5[%dma_start3A_146, %dma_start3A_147] : memref<26x128xi32, #tpu.memory_space<vmem>> -> memref<1x128xi32, #tpu.memory_space<vmem>>
    %dma_start3A_149 = tpu.memref_squeeze %dma_start3A_148 : memref<1x128xi32, #tpu.memory_space<vmem>> -> memref<128xi32, #tpu.memory_space<vmem>>
    %dma_start3A_150 = arith.constant 0 : i32
    %dma_start3A_151 = arith.constant 0 : i32
    %dma_start3A_152 = tpu.memref_slice %arg3[%dma_start3A_145, %dma_start3A_150, %dma_start3A_151] : memref<26x100000x32xf32, #tpu.memory_space<hbm>> -> memref<1x100000x32xf32, #tpu.memory_space<hbm>>
    %dma_start3A_153 = tpu.memref_squeeze %dma_start3A_152 : memref<1x100000x32xf32, #tpu.memory_space<hbm>> -> memref<100000x32xf32, #tpu.memory_space<hbm>>
    %dma_start3A_154 = arith.constant 0 : i32
    %dma_start3A_155 = arith.constant 0 : i32
    %dma_start3A_156 = tpu.memref_slice %dma_start3A_153[%dma_start3A_154, %dma_start3A_155] : memref<100000x32xf32, #tpu.memory_space<hbm>> -> memref<100000x32xf32, #tpu.memory_space<hbm>>
    tpu.enqueue_indirect_dma source(%dma_start3A_156 : memref<100000x32xf32, #tpu.memory_space<hbm>>) target(%arg6 : memref<128x32xf32, #tpu.memory_space<vmem>>) offsets(%dma_start3A_149 : memref<128xi32, #tpu.memory_space<vmem>>) semaphore(%arg8 : memref<!tpu.dma_semaphore, #tpu.memory_space<semaphore_mem>>) {add = true}
    %dma_start3A_157 = arith.constant 12 : i32
    %dma_start3A_158 = arith.constant 12 : i32
    %dma_start3A_159 = arith.constant 0 : i32
    %dma_start3A_160 = tpu.memref_slice %arg5[%dma_start3A_158, %dma_start3A_159] : memref<26x128xi32, #tpu.memory_space<vmem>> -> memref<1x128xi32, #tpu.memory_space<vmem>>
    %dma_start3A_161 = tpu.memref_squeeze %dma_start3A_160 : memref<1x128xi32, #tpu.memory_space<vmem>> -> memref<128xi32, #tpu.memory_space<vmem>>
    %dma_start3A_162 = arith.constant 0 : i32
    %dma_start3A_163 = arith.constant 0 : i32
    %dma_start3A_164 = tpu.memref_slice %arg3[%dma_start3A_157, %dma_start3A_162, %dma_start3A_163] : memref<26x100000x32xf32, #tpu.memory_space<hbm>> -> memref<1x100000x32xf32, #tpu.memory_space<hbm>>
    %dma_start3A_165 = tpu.memref_squeeze %dma_start3A_164 : memref<1x100000x32xf32, #tpu.memory_space<hbm>> -> memref<100000x32xf32, #tpu.memory_space<hbm>>
    %dma_start3A_166 = arith.constant 0 : i32
    %dma_start3A_167 = arith.constant 0 : i32
    %dma_start3A_168 = tpu.memref_slice %dma_start3A_165[%dma_start3A_166, %dma_start3A_167] : memref<100000x32xf32, #tpu.memory_space<hbm>> -> memref<100000x32xf32, #tpu.memory_space<hbm>>
    tpu.enqueue_indirect_dma source(%dma_start3A_168 : memref<100000x32xf32, #tpu.memory_space<hbm>>) target(%arg6 : memref<128x32xf32, #tpu.memory_space<vmem>>) offsets(%dma_start3A_161 : memref<128xi32, #tpu.memory_space<vmem>>) semaphore(%arg8 : memref<!tpu.dma_semaphore, #tpu.memory_space<semaphore_mem>>) {add = true}
    %dma_start3A_169 = arith.constant 13 : i32
    %dma_start3A_170 = arith.constant 13 : i32
    %dma_start3A_171 = arith.constant 0 : i32
    %dma_start3A_172 = tpu.memref_slice %arg5[%dma_start3A_170, %dma_start3A_171] : memref<26x128xi32, #tpu.memory_space<vmem>> -> memref<1x128xi32, #tpu.memory_space<vmem>>
    %dma_start3A_173 = tpu.memref_squeeze %dma_start3A_172 : memref<1x128xi32, #tpu.memory_space<vmem>> -> memref<128xi32, #tpu.memory_space<vmem>>
    %dma_start3A_174 = arith.constant 0 : i32
    %dma_start3A_175 = arith.constant 0 : i32
    %dma_start3A_176 = tpu.memref_slice %arg3[%dma_start3A_169, %dma_start3A_174, %dma_start3A_175] : memref<26x100000x32xf32, #tpu.memory_space<hbm>> -> memref<1x100000x32xf32, #tpu.memory_space<hbm>>
    %dma_start3A_177 = tpu.memref_squeeze %dma_start3A_176 : memref<1x100000x32xf32, #tpu.memory_space<hbm>> -> memref<100000x32xf32, #tpu.memory_space<hbm>>
    %dma_start3A_178 = arith.constant 0 : i32
    %dma_start3A_179 = arith.constant 0 : i32
    %dma_start3A_180 = tpu.memref_slice %dma_start3A_177[%dma_start3A_178, %dma_start3A_179] : memref<100000x32xf32, #tpu.memory_space<hbm>> -> memref<100000x32xf32, #tpu.memory_space<hbm>>
    tpu.enqueue_indirect_dma source(%dma_start3A_180 : memref<100000x32xf32, #tpu.memory_space<hbm>>) target(%arg6 : memref<128x32xf32, #tpu.memory_space<vmem>>) offsets(%dma_start3A_173 : memref<128xi32, #tpu.memory_space<vmem>>) semaphore(%arg8 : memref<!tpu.dma_semaphore, #tpu.memory_space<semaphore_mem>>) {add = true}
    %dma_start3A_181 = arith.constant 14 : i32
    %dma_start3A_182 = arith.constant 14 : i32
    %dma_start3A_183 = arith.constant 0 : i32
    %dma_start3A_184 = tpu.memref_slice %arg5[%dma_start3A_182, %dma_start3A_183] : memref<26x128xi32, #tpu.memory_space<vmem>> -> memref<1x128xi32, #tpu.memory_space<vmem>>
    %dma_start3A_185 = tpu.memref_squeeze %dma_start3A_184 : memref<1x128xi32, #tpu.memory_space<vmem>> -> memref<128xi32, #tpu.memory_space<vmem>>
    %dma_start3A_186 = arith.constant 0 : i32
    %dma_start3A_187 = arith.constant 0 : i32
    %dma_start3A_188 = tpu.memref_slice %arg3[%dma_start3A_181, %dma_start3A_186, %dma_start3A_187] : memref<26x100000x32xf32, #tpu.memory_space<hbm>> -> memref<1x100000x32xf32, #tpu.memory_space<hbm>>
    %dma_start3A_189 = tpu.memref_squeeze %dma_start3A_188 : memref<1x100000x32xf32, #tpu.memory_space<hbm>> -> memref<100000x32xf32, #tpu.memory_space<hbm>>
    %dma_start3A_190 = arith.constant 0 : i32
    %dma_start3A_191 = arith.constant 0 : i32
    %dma_start3A_192 = tpu.memref_slice %dma_start3A_189[%dma_start3A_190, %dma_start3A_191] : memref<100000x32xf32, #tpu.memory_space<hbm>> -> memref<100000x32xf32, #tpu.memory_space<hbm>>
    tpu.enqueue_indirect_dma source(%dma_start3A_192 : memref<100000x32xf32, #tpu.memory_space<hbm>>) target(%arg6 : memref<128x32xf32, #tpu.memory_space<vmem>>) offsets(%dma_start3A_185 : memref<128xi32, #tpu.memory_space<vmem>>) semaphore(%arg8 : memref<!tpu.dma_semaphore, #tpu.memory_space<semaphore_mem>>) {add = true}
    %dma_start3A_193 = arith.constant 15 : i32
    %dma_start3A_194 = arith.constant 15 : i32
    %dma_start3A_195 = arith.constant 0 : i32
    %dma_start3A_196 = tpu.memref_slice %arg5[%dma_start3A_194, %dma_start3A_195] : memref<26x128xi32, #tpu.memory_space<vmem>> -> memref<1x128xi32, #tpu.memory_space<vmem>>
    %dma_start3A_197 = tpu.memref_squeeze %dma_start3A_196 : memref<1x128xi32, #tpu.memory_space<vmem>> -> memref<128xi32, #tpu.memory_space<vmem>>
    %dma_start3A_198 = arith.constant 0 : i32
    %dma_start3A_199 = arith.constant 0 : i32
    %dma_start3A_200 = tpu.memref_slice %arg3[%dma_start3A_193, %dma_start3A_198, %dma_start3A_199] : memref<26x100000x32xf32, #tpu.memory_space<hbm>> -> memref<1x100000x32xf32, #tpu.memory_space<hbm>>
    %dma_start3A_201 = tpu.memref_squeeze %dma_start3A_200 : memref<1x100000x32xf32, #tpu.memory_space<hbm>> -> memref<100000x32xf32, #tpu.memory_space<hbm>>
    %dma_start3A_202 = arith.constant 0 : i32
    %dma_start3A_203 = arith.constant 0 : i32
    %dma_start3A_204 = tpu.memref_slice %dma_start3A_201[%dma_start3A_202, %dma_start3A_203] : memref<100000x32xf32, #tpu.memory_space<hbm>> -> memref<100000x32xf32, #tpu.memory_space<hbm>>
    tpu.enqueue_indirect_dma source(%dma_start3A_204 : memref<100000x32xf32, #tpu.memory_space<hbm>>) target(%arg6 : memref<128x32xf32, #tpu.memory_space<vmem>>) offsets(%dma_start3A_197 : memref<128xi32, #tpu.memory_space<vmem>>) semaphore(%arg8 : memref<!tpu.dma_semaphore, #tpu.memory_space<semaphore_mem>>) {add = true}
    %dma_start3A_205 = arith.constant 16 : i32
    %dma_start3A_206 = arith.constant 16 : i32
    %dma_start3A_207 = arith.constant 0 : i32
    %dma_start3A_208 = tpu.memref_slice %arg5[%dma_start3A_206, %dma_start3A_207] : memref<26x128xi32, #tpu.memory_space<vmem>> -> memref<1x128xi32, #tpu.memory_space<vmem>>
    %dma_start3A_209 = tpu.memref_squeeze %dma_start3A_208 : memref<1x128xi32, #tpu.memory_space<vmem>> -> memref<128xi32, #tpu.memory_space<vmem>>
    %dma_start3A_210 = arith.constant 0 : i32
    %dma_start3A_211 = arith.constant 0 : i32
    %dma_start3A_212 = tpu.memref_slice %arg3[%dma_start3A_205, %dma_start3A_210, %dma_start3A_211] : memref<26x100000x32xf32, #tpu.memory_space<hbm>> -> memref<1x100000x32xf32, #tpu.memory_space<hbm>>
    %dma_start3A_213 = tpu.memref_squeeze %dma_start3A_212 : memref<1x100000x32xf32, #tpu.memory_space<hbm>> -> memref<100000x32xf32, #tpu.memory_space<hbm>>
    %dma_start3A_214 = arith.constant 0 : i32
    %dma_start3A_215 = arith.constant 0 : i32
    %dma_start3A_216 = tpu.memref_slice %dma_start3A_213[%dma_start3A_214, %dma_start3A_215] : memref<100000x32xf32, #tpu.memory_space<hbm>> -> memref<100000x32xf32, #tpu.memory_space<hbm>>
    tpu.enqueue_indirect_dma source(%dma_start3A_216 : memref<100000x32xf32, #tpu.memory_space<hbm>>) target(%arg6 : memref<128x32xf32, #tpu.memory_space<vmem>>) offsets(%dma_start3A_209 : memref<128xi32, #tpu.memory_space<vmem>>) semaphore(%arg8 : memref<!tpu.dma_semaphore, #tpu.memory_space<semaphore_mem>>) {add = true}
    %dma_start3A_217 = arith.constant 17 : i32
    %dma_start3A_218 = arith.constant 17 : i32
    %dma_start3A_219 = arith.constant 0 : i32
    %dma_start3A_220 = tpu.memref_slice %arg5[%dma_start3A_218, %dma_start3A_219] : memref<26x128xi32, #tpu.memory_space<vmem>> -> memref<1x128xi32, #tpu.memory_space<vmem>>
    %dma_start3A_221 = tpu.memref_squeeze %dma_start3A_220 : memref<1x128xi32, #tpu.memory_space<vmem>> -> memref<128xi32, #tpu.memory_space<vmem>>
    %dma_start3A_222 = arith.constant 0 : i32
    %dma_start3A_223 = arith.constant 0 : i32
    %dma_start3A_224 = tpu.memref_slice %arg3[%dma_start3A_217, %dma_start3A_222, %dma_start3A_223] : memref<26x100000x32xf32, #tpu.memory_space<hbm>> -> memref<1x100000x32xf32, #tpu.memory_space<hbm>>
    %dma_start3A_225 = tpu.memref_squeeze %dma_start3A_224 : memref<1x100000x32xf32, #tpu.memory_space<hbm>> -> memref<100000x32xf32, #tpu.memory_space<hbm>>
    %dma_start3A_226 = arith.constant 0 : i32
    %dma_start3A_227 = arith.constant 0 : i32
    %dma_start3A_228 = tpu.memref_slice %dma_start3A_225[%dma_start3A_226, %dma_start3A_227] : memref<100000x32xf32, #tpu.memory_space<hbm>> -> memref<100000x32xf32, #tpu.memory_space<hbm>>
    tpu.enqueue_indirect_dma source(%dma_start3A_228 : memref<100000x32xf32, #tpu.memory_space<hbm>>) target(%arg6 : memref<128x32xf32, #tpu.memory_space<vmem>>) offsets(%dma_start3A_221 : memref<128xi32, #tpu.memory_space<vmem>>) semaphore(%arg8 : memref<!tpu.dma_semaphore, #tpu.memory_space<semaphore_mem>>) {add = true}
    %dma_start3A_229 = arith.constant 18 : i32
    %dma_start3A_230 = arith.constant 18 : i32
    %dma_start3A_231 = arith.constant 0 : i32
    %dma_start3A_232 = tpu.memref_slice %arg5[%dma_start3A_230, %dma_start3A_231] : memref<26x128xi32, #tpu.memory_space<vmem>> -> memref<1x128xi32, #tpu.memory_space<vmem>>
    %dma_start3A_233 = tpu.memref_squeeze %dma_start3A_232 : memref<1x128xi32, #tpu.memory_space<vmem>> -> memref<128xi32, #tpu.memory_space<vmem>>
    %dma_start3A_234 = arith.constant 0 : i32
    %dma_start3A_235 = arith.constant 0 : i32
    %dma_start3A_236 = tpu.memref_slice %arg3[%dma_start3A_229, %dma_start3A_234, %dma_start3A_235] : memref<26x100000x32xf32, #tpu.memory_space<hbm>> -> memref<1x100000x32xf32, #tpu.memory_space<hbm>>
    %dma_start3A_237 = tpu.memref_squeeze %dma_start3A_236 : memref<1x100000x32xf32, #tpu.memory_space<hbm>> -> memref<100000x32xf32, #tpu.memory_space<hbm>>
    %dma_start3A_238 = arith.constant 0 : i32
    %dma_start3A_239 = arith.constant 0 : i32
    %dma_start3A_240 = tpu.memref_slice %dma_start3A_237[%dma_start3A_238, %dma_start3A_239] : memref<100000x32xf32, #tpu.memory_space<hbm>> -> memref<100000x32xf32, #tpu.memory_space<hbm>>
    tpu.enqueue_indirect_dma source(%dma_start3A_240 : memref<100000x32xf32, #tpu.memory_space<hbm>>) target(%arg6 : memref<128x32xf32, #tpu.memory_space<vmem>>) offsets(%dma_start3A_233 : memref<128xi32, #tpu.memory_space<vmem>>) semaphore(%arg8 : memref<!tpu.dma_semaphore, #tpu.memory_space<semaphore_mem>>) {add = true}
    %dma_start3A_241 = arith.constant 19 : i32
    %dma_start3A_242 = arith.constant 19 : i32
    %dma_start3A_243 = arith.constant 0 : i32
    %dma_start3A_244 = tpu.memref_slice %arg5[%dma_start3A_242, %dma_start3A_243] : memref<26x128xi32, #tpu.memory_space<vmem>> -> memref<1x128xi32, #tpu.memory_space<vmem>>
    %dma_start3A_245 = tpu.memref_squeeze %dma_start3A_244 : memref<1x128xi32, #tpu.memory_space<vmem>> -> memref<128xi32, #tpu.memory_space<vmem>>
    %dma_start3A_246 = arith.constant 0 : i32
    %dma_start3A_247 = arith.constant 0 : i32
    %dma_start3A_248 = tpu.memref_slice %arg3[%dma_start3A_241, %dma_start3A_246, %dma_start3A_247] : memref<26x100000x32xf32, #tpu.memory_space<hbm>> -> memref<1x100000x32xf32, #tpu.memory_space<hbm>>
    %dma_start3A_249 = tpu.memref_squeeze %dma_start3A_248 : memref<1x100000x32xf32, #tpu.memory_space<hbm>> -> memref<100000x32xf32, #tpu.memory_space<hbm>>
    %dma_start3A_250 = arith.constant 0 : i32
    %dma_start3A_251 = arith.constant 0 : i32
    %dma_start3A_252 = tpu.memref_slice %dma_start3A_249[%dma_start3A_250, %dma_start3A_251] : memref<100000x32xf32, #tpu.memory_space<hbm>> -> memref<100000x32xf32, #tpu.memory_space<hbm>>
    tpu.enqueue_indirect_dma source(%dma_start3A_252 : memref<100000x32xf32, #tpu.memory_space<hbm>>) target(%arg6 : memref<128x32xf32, #tpu.memory_space<vmem>>) offsets(%dma_start3A_245 : memref<128xi32, #tpu.memory_space<vmem>>) semaphore(%arg8 : memref<!tpu.dma_semaphore, #tpu.memory_space<semaphore_mem>>) {add = true}
    %dma_start3A_253 = arith.constant 20 : i32
    %dma_start3A_254 = arith.constant 20 : i32
    %dma_start3A_255 = arith.constant 0 : i32
    %dma_start3A_256 = tpu.memref_slice %arg5[%dma_start3A_254, %dma_start3A_255] : memref<26x128xi32, #tpu.memory_space<vmem>> -> memref<1x128xi32, #tpu.memory_space<vmem>>
    %dma_start3A_257 = tpu.memref_squeeze %dma_start3A_256 : memref<1x128xi32, #tpu.memory_space<vmem>> -> memref<128xi32, #tpu.memory_space<vmem>>
    %dma_start3A_258 = arith.constant 0 : i32
    %dma_start3A_259 = arith.constant 0 : i32
    %dma_start3A_260 = tpu.memref_slice %arg3[%dma_start3A_253, %dma_start3A_258, %dma_start3A_259] : memref<26x100000x32xf32, #tpu.memory_space<hbm>> -> memref<1x100000x32xf32, #tpu.memory_space<hbm>>
    %dma_start3A_261 = tpu.memref_squeeze %dma_start3A_260 : memref<1x100000x32xf32, #tpu.memory_space<hbm>> -> memref<100000x32xf32, #tpu.memory_space<hbm>>
    %dma_start3A_262 = arith.constant 0 : i32
    %dma_start3A_263 = arith.constant 0 : i32
    %dma_start3A_264 = tpu.memref_slice %dma_start3A_261[%dma_start3A_262, %dma_start3A_263] : memref<100000x32xf32, #tpu.memory_space<hbm>> -> memref<100000x32xf32, #tpu.memory_space<hbm>>
    tpu.enqueue_indirect_dma source(%dma_start3A_264 : memref<100000x32xf32, #tpu.memory_space<hbm>>) target(%arg6 : memref<128x32xf32, #tpu.memory_space<vmem>>) offsets(%dma_start3A_257 : memref<128xi32, #tpu.memory_space<vmem>>) semaphore(%arg8 : memref<!tpu.dma_semaphore, #tpu.memory_space<semaphore_mem>>) {add = true}
    %dma_start3A_265 = arith.constant 21 : i32
    %dma_start3A_266 = arith.constant 21 : i32
    %dma_start3A_267 = arith.constant 0 : i32
    %dma_start3A_268 = tpu.memref_slice %arg5[%dma_start3A_266, %dma_start3A_267] : memref<26x128xi32, #tpu.memory_space<vmem>> -> memref<1x128xi32, #tpu.memory_space<vmem>>
    %dma_start3A_269 = tpu.memref_squeeze %dma_start3A_268 : memref<1x128xi32, #tpu.memory_space<vmem>> -> memref<128xi32, #tpu.memory_space<vmem>>
    %dma_start3A_270 = arith.constant 0 : i32
    %dma_start3A_271 = arith.constant 0 : i32
    %dma_start3A_272 = tpu.memref_slice %arg3[%dma_start3A_265, %dma_start3A_270, %dma_start3A_271] : memref<26x100000x32xf32, #tpu.memory_space<hbm>> -> memref<1x100000x32xf32, #tpu.memory_space<hbm>>
    %dma_start3A_273 = tpu.memref_squeeze %dma_start3A_272 : memref<1x100000x32xf32, #tpu.memory_space<hbm>> -> memref<100000x32xf32, #tpu.memory_space<hbm>>
    %dma_start3A_274 = arith.constant 0 : i32
    %dma_start3A_275 = arith.constant 0 : i32
    %dma_start3A_276 = tpu.memref_slice %dma_start3A_273[%dma_start3A_274, %dma_start3A_275] : memref<100000x32xf32, #tpu.memory_space<hbm>> -> memref<100000x32xf32, #tpu.memory_space<hbm>>
    tpu.enqueue_indirect_dma source(%dma_start3A_276 : memref<100000x32xf32, #tpu.memory_space<hbm>>) target(%arg6 : memref<128x32xf32, #tpu.memory_space<vmem>>) offsets(%dma_start3A_269 : memref<128xi32, #tpu.memory_space<vmem>>) semaphore(%arg8 : memref<!tpu.dma_semaphore, #tpu.memory_space<semaphore_mem>>) {add = true}
    %dma_start3A_277 = arith.constant 22 : i32
    %dma_start3A_278 = arith.constant 22 : i32
    %dma_start3A_279 = arith.constant 0 : i32
    %dma_start3A_280 = tpu.memref_slice %arg5[%dma_start3A_278, %dma_start3A_279] : memref<26x128xi32, #tpu.memory_space<vmem>> -> memref<1x128xi32, #tpu.memory_space<vmem>>
    %dma_start3A_281 = tpu.memref_squeeze %dma_start3A_280 : memref<1x128xi32, #tpu.memory_space<vmem>> -> memref<128xi32, #tpu.memory_space<vmem>>
    %dma_start3A_282 = arith.constant 0 : i32
    %dma_start3A_283 = arith.constant 0 : i32
    %dma_start3A_284 = tpu.memref_slice %arg3[%dma_start3A_277, %dma_start3A_282, %dma_start3A_283] : memref<26x100000x32xf32, #tpu.memory_space<hbm>> -> memref<1x100000x32xf32, #tpu.memory_space<hbm>>
    %dma_start3A_285 = tpu.memref_squeeze %dma_start3A_284 : memref<1x100000x32xf32, #tpu.memory_space<hbm>> -> memref<100000x32xf32, #tpu.memory_space<hbm>>
    %dma_start3A_286 = arith.constant 0 : i32
    %dma_start3A_287 = arith.constant 0 : i32
    %dma_start3A_288 = tpu.memref_slice %dma_start3A_285[%dma_start3A_286, %dma_start3A_287] : memref<100000x32xf32, #tpu.memory_space<hbm>> -> memref<100000x32xf32, #tpu.memory_space<hbm>>
    tpu.enqueue_indirect_dma source(%dma_start3A_288 : memref<100000x32xf32, #tpu.memory_space<hbm>>) target(%arg6 : memref<128x32xf32, #tpu.memory_space<vmem>>) offsets(%dma_start3A_281 : memref<128xi32, #tpu.memory_space<vmem>>) semaphore(%arg8 : memref<!tpu.dma_semaphore, #tpu.memory_space<semaphore_mem>>) {add = true}
    %dma_start3A_289 = arith.constant 23 : i32
    %dma_start3A_290 = arith.constant 23 : i32
    %dma_start3A_291 = arith.constant 0 : i32
    %dma_start3A_292 = tpu.memref_slice %arg5[%dma_start3A_290, %dma_start3A_291] : memref<26x128xi32, #tpu.memory_space<vmem>> -> memref<1x128xi32, #tpu.memory_space<vmem>>
    %dma_start3A_293 = tpu.memref_squeeze %dma_start3A_292 : memref<1x128xi32, #tpu.memory_space<vmem>> -> memref<128xi32, #tpu.memory_space<vmem>>
    %dma_start3A_294 = arith.constant 0 : i32
    %dma_start3A_295 = arith.constant 0 : i32
    %dma_start3A_296 = tpu.memref_slice %arg3[%dma_start3A_289, %dma_start3A_294, %dma_start3A_295] : memref<26x100000x32xf32, #tpu.memory_space<hbm>> -> memref<1x100000x32xf32, #tpu.memory_space<hbm>>
    %dma_start3A_297 = tpu.memref_squeeze %dma_start3A_296 : memref<1x100000x32xf32, #tpu.memory_space<hbm>> -> memref<100000x32xf32, #tpu.memory_space<hbm>>
    %dma_start3A_298 = arith.constant 0 : i32
    %dma_start3A_299 = arith.constant 0 : i32
    %dma_start3A_300 = tpu.memref_slice %dma_start3A_297[%dma_start3A_298, %dma_start3A_299] : memref<100000x32xf32, #tpu.memory_space<hbm>> -> memref<100000x32xf32, #tpu.memory_space<hbm>>
    tpu.enqueue_indirect_dma source(%dma_start3A_300 : memref<100000x32xf32, #tpu.memory_space<hbm>>) target(%arg6 : memref<128x32xf32, #tpu.memory_space<vmem>>) offsets(%dma_start3A_293 : memref<128xi32, #tpu.memory_space<vmem>>) semaphore(%arg8 : memref<!tpu.dma_semaphore, #tpu.memory_space<semaphore_mem>>) {add = true}
    %dma_start3A_301 = arith.constant 24 : i32
    %dma_start3A_302 = arith.constant 24 : i32
    %dma_start3A_303 = arith.constant 0 : i32
    %dma_start3A_304 = tpu.memref_slice %arg5[%dma_start3A_302, %dma_start3A_303] : memref<26x128xi32, #tpu.memory_space<vmem>> -> memref<1x128xi32, #tpu.memory_space<vmem>>
    %dma_start3A_305 = tpu.memref_squeeze %dma_start3A_304 : memref<1x128xi32, #tpu.memory_space<vmem>> -> memref<128xi32, #tpu.memory_space<vmem>>
    %dma_start3A_306 = arith.constant 0 : i32
    %dma_start3A_307 = arith.constant 0 : i32
    %dma_start3A_308 = tpu.memref_slice %arg3[%dma_start3A_301, %dma_start3A_306, %dma_start3A_307] : memref<26x100000x32xf32, #tpu.memory_space<hbm>> -> memref<1x100000x32xf32, #tpu.memory_space<hbm>>
    %dma_start3A_309 = tpu.memref_squeeze %dma_start3A_308 : memref<1x100000x32xf32, #tpu.memory_space<hbm>> -> memref<100000x32xf32, #tpu.memory_space<hbm>>
    %dma_start3A_310 = arith.constant 0 : i32
    %dma_start3A_311 = arith.constant 0 : i32
    %dma_start3A_312 = tpu.memref_slice %dma_start3A_309[%dma_start3A_310, %dma_start3A_311] : memref<100000x32xf32, #tpu.memory_space<hbm>> -> memref<100000x32xf32, #tpu.memory_space<hbm>>
    tpu.enqueue_indirect_dma source(%dma_start3A_312 : memref<100000x32xf32, #tpu.memory_space<hbm>>) target(%arg6 : memref<128x32xf32, #tpu.memory_space<vmem>>) offsets(%dma_start3A_305 : memref<128xi32, #tpu.memory_space<vmem>>) semaphore(%arg8 : memref<!tpu.dma_semaphore, #tpu.memory_space<semaphore_mem>>) {add = true}
    %dma_start3A_313 = arith.constant 25 : i32
    %dma_start3A_314 = arith.constant 25 : i32
    %dma_start3A_315 = arith.constant 0 : i32
    %dma_start3A_316 = tpu.memref_slice %arg5[%dma_start3A_314, %dma_start3A_315] : memref<26x128xi32, #tpu.memory_space<vmem>> -> memref<1x128xi32, #tpu.memory_space<vmem>>
    %dma_start3A_317 = tpu.memref_squeeze %dma_start3A_316 : memref<1x128xi32, #tpu.memory_space<vmem>> -> memref<128xi32, #tpu.memory_space<vmem>>
    %dma_start3A_318 = arith.constant 0 : i32
    %dma_start3A_319 = arith.constant 0 : i32
    %dma_start3A_320 = tpu.memref_slice %arg3[%dma_start3A_313, %dma_start3A_318, %dma_start3A_319] : memref<26x100000x32xf32, #tpu.memory_space<hbm>> -> memref<1x100000x32xf32, #tpu.memory_space<hbm>>
    %dma_start3A_321 = tpu.memref_squeeze %dma_start3A_320 : memref<1x100000x32xf32, #tpu.memory_space<hbm>> -> memref<100000x32xf32, #tpu.memory_space<hbm>>
    %dma_start3A_322 = arith.constant 0 : i32
    %dma_start3A_323 = arith.constant 0 : i32
    %dma_start3A_324 = tpu.memref_slice %dma_start3A_321[%dma_start3A_322, %dma_start3A_323] : memref<100000x32xf32, #tpu.memory_space<hbm>> -> memref<100000x32xf32, #tpu.memory_space<hbm>>
    tpu.enqueue_indirect_dma source(%dma_start3A_324 : memref<100000x32xf32, #tpu.memory_space<hbm>>) target(%arg6 : memref<128x32xf32, #tpu.memory_space<vmem>>) offsets(%dma_start3A_317 : memref<128xi32, #tpu.memory_space<vmem>>) semaphore(%arg8 : memref<!tpu.dma_semaphore, #tpu.memory_space<semaphore_mem>>) {add = true}
    %dma_wait3A_325 = arith.constant 1 : i32
    %dma_wait3A_326 = arith.constant 1 : i32
    %dma_wait3A_327 = arith.constant 0 : i32
    %dma_wait3A_328 = tpu.memref_slice %arg5[%dma_wait3A_326, %dma_wait3A_327] : memref<26x128xi32, #tpu.memory_space<vmem>> -> memref<1x128xi32, #tpu.memory_space<vmem>>
    %dma_wait3A_329 = tpu.memref_squeeze %dma_wait3A_328 : memref<1x128xi32, #tpu.memory_space<vmem>> -> memref<128xi32, #tpu.memory_space<vmem>>
    %dma_wait3A_330 = arith.constant 0 : i32
    %dma_wait3A_331 = arith.constant 0 : i32
    %dma_wait3A_332 = tpu.memref_slice %arg3[%dma_wait3A_325, %dma_wait3A_330, %dma_wait3A_331] : memref<26x100000x32xf32, #tpu.memory_space<hbm>> -> memref<1x100000x32xf32, #tpu.memory_space<hbm>>
    %dma_wait3A_333 = tpu.memref_squeeze %dma_wait3A_332 : memref<1x100000x32xf32, #tpu.memory_space<hbm>> -> memref<100000x32xf32, #tpu.memory_space<hbm>>
    %dma_wait3A_334 = arith.constant 0 : i32
    %dma_wait3A_335 = arith.constant 0 : i32
    %dma_wait3A_336 = tpu.memref_slice %dma_wait3A_333[%dma_wait3A_334, %dma_wait3A_335] : memref<100000x32xf32, #tpu.memory_space<hbm>> -> memref<100000x32xf32, #tpu.memory_space<hbm>>
    tpu.wait_indirect_dma semaphore(%arg8 : memref<!tpu.dma_semaphore, #tpu.memory_space<semaphore_mem>>) src(%dma_wait3A_336 : memref<100000x32xf32, #tpu.memory_space<hbm>>) dst(%arg6 : memref<128x32xf32, #tpu.memory_space<vmem>>)
    %dma_wait3A_337 = arith.constant 2 : i32
    %dma_wait3A_338 = arith.constant 2 : i32
    %dma_wait3A_339 = arith.constant 0 : i32
    %dma_wait3A_340 = tpu.memref_slice %arg5[%dma_wait3A_338, %dma_wait3A_339] : memref<26x128xi32, #tpu.memory_space<vmem>> -> memref<1x128xi32, #tpu.memory_space<vmem>>
    %dma_wait3A_341 = tpu.memref_squeeze %dma_wait3A_340 : memref<1x128xi32, #tpu.memory_space<vmem>> -> memref<128xi32, #tpu.memory_space<vmem>>
    %dma_wait3A_342 = arith.constant 0 : i32
    %dma_wait3A_343 = arith.constant 0 : i32
    %dma_wait3A_344 = tpu.memref_slice %arg3[%dma_wait3A_337, %dma_wait3A_342, %dma_wait3A_343] : memref<26x100000x32xf32, #tpu.memory_space<hbm>> -> memref<1x100000x32xf32, #tpu.memory_space<hbm>>
    %dma_wait3A_345 = tpu.memref_squeeze %dma_wait3A_344 : memref<1x100000x32xf32, #tpu.memory_space<hbm>> -> memref<100000x32xf32, #tpu.memory_space<hbm>>
    %dma_wait3A_346 = arith.constant 0 : i32
    %dma_wait3A_347 = arith.constant 0 : i32
    %dma_wait3A_348 = tpu.memref_slice %dma_wait3A_345[%dma_wait3A_346, %dma_wait3A_347] : memref<100000x32xf32, #tpu.memory_space<hbm>> -> memref<100000x32xf32, #tpu.memory_space<hbm>>
    tpu.wait_indirect_dma semaphore(%arg8 : memref<!tpu.dma_semaphore, #tpu.memory_space<semaphore_mem>>) src(%dma_wait3A_348 : memref<100000x32xf32, #tpu.memory_space<hbm>>) dst(%arg6 : memref<128x32xf32, #tpu.memory_space<vmem>>)
    %dma_wait3A_349 = arith.constant 3 : i32
    %dma_wait3A_350 = arith.constant 3 : i32
    %dma_wait3A_351 = arith.constant 0 : i32
    %dma_wait3A_352 = tpu.memref_slice %arg5[%dma_wait3A_350, %dma_wait3A_351] : memref<26x128xi32, #tpu.memory_space<vmem>> -> memref<1x128xi32, #tpu.memory_space<vmem>>
    %dma_wait3A_353 = tpu.memref_squeeze %dma_wait3A_352 : memref<1x128xi32, #tpu.memory_space<vmem>> -> memref<128xi32, #tpu.memory_space<vmem>>
    %dma_wait3A_354 = arith.constant 0 : i32
    %dma_wait3A_355 = arith.constant 0 : i32
    %dma_wait3A_356 = tpu.memref_slice %arg3[%dma_wait3A_349, %dma_wait3A_354, %dma_wait3A_355] : memref<26x100000x32xf32, #tpu.memory_space<hbm>> -> memref<1x100000x32xf32, #tpu.memory_space<hbm>>
    %dma_wait3A_357 = tpu.memref_squeeze %dma_wait3A_356 : memref<1x100000x32xf32, #tpu.memory_space<hbm>> -> memref<100000x32xf32, #tpu.memory_space<hbm>>
    %dma_wait3A_358 = arith.constant 0 : i32
    %dma_wait3A_359 = arith.constant 0 : i32
    %dma_wait3A_360 = tpu.memref_slice %dma_wait3A_357[%dma_wait3A_358, %dma_wait3A_359] : memref<100000x32xf32, #tpu.memory_space<hbm>> -> memref<100000x32xf32, #tpu.memory_space<hbm>>
    tpu.wait_indirect_dma semaphore(%arg8 : memref<!tpu.dma_semaphore, #tpu.memory_space<semaphore_mem>>) src(%dma_wait3A_360 : memref<100000x32xf32, #tpu.memory_space<hbm>>) dst(%arg6 : memref<128x32xf32, #tpu.memory_space<vmem>>)
    %dma_wait3A_361 = arith.constant 4 : i32
    %dma_wait3A_362 = arith.constant 4 : i32
    %dma_wait3A_363 = arith.constant 0 : i32
    %dma_wait3A_364 = tpu.memref_slice %arg5[%dma_wait3A_362, %dma_wait3A_363] : memref<26x128xi32, #tpu.memory_space<vmem>> -> memref<1x128xi32, #tpu.memory_space<vmem>>
    %dma_wait3A_365 = tpu.memref_squeeze %dma_wait3A_364 : memref<1x128xi32, #tpu.memory_space<vmem>> -> memref<128xi32, #tpu.memory_space<vmem>>
    %dma_wait3A_366 = arith.constant 0 : i32
    %dma_wait3A_367 = arith.constant 0 : i32
    %dma_wait3A_368 = tpu.memref_slice %arg3[%dma_wait3A_361, %dma_wait3A_366, %dma_wait3A_367] : memref<26x100000x32xf32, #tpu.memory_space<hbm>> -> memref<1x100000x32xf32, #tpu.memory_space<hbm>>
    %dma_wait3A_369 = tpu.memref_squeeze %dma_wait3A_368 : memref<1x100000x32xf32, #tpu.memory_space<hbm>> -> memref<100000x32xf32, #tpu.memory_space<hbm>>
    %dma_wait3A_370 = arith.constant 0 : i32
    %dma_wait3A_371 = arith.constant 0 : i32
    %dma_wait3A_372 = tpu.memref_slice %dma_wait3A_369[%dma_wait3A_370, %dma_wait3A_371] : memref<100000x32xf32, #tpu.memory_space<hbm>> -> memref<100000x32xf32, #tpu.memory_space<hbm>>
    tpu.wait_indirect_dma semaphore(%arg8 : memref<!tpu.dma_semaphore, #tpu.memory_space<semaphore_mem>>) src(%dma_wait3A_372 : memref<100000x32xf32, #tpu.memory_space<hbm>>) dst(%arg6 : memref<128x32xf32, #tpu.memory_space<vmem>>)
    %dma_wait3A_373 = arith.constant 5 : i32
    %dma_wait3A_374 = arith.constant 5 : i32
    %dma_wait3A_375 = arith.constant 0 : i32
    %dma_wait3A_376 = tpu.memref_slice %arg5[%dma_wait3A_374, %dma_wait3A_375] : memref<26x128xi32, #tpu.memory_space<vmem>> -> memref<1x128xi32, #tpu.memory_space<vmem>>
    %dma_wait3A_377 = tpu.memref_squeeze %dma_wait3A_376 : memref<1x128xi32, #tpu.memory_space<vmem>> -> memref<128xi32, #tpu.memory_space<vmem>>
    %dma_wait3A_378 = arith.constant 0 : i32
    %dma_wait3A_379 = arith.constant 0 : i32
    %dma_wait3A_380 = tpu.memref_slice %arg3[%dma_wait3A_373, %dma_wait3A_378, %dma_wait3A_379] : memref<26x100000x32xf32, #tpu.memory_space<hbm>> -> memref<1x100000x32xf32, #tpu.memory_space<hbm>>
    %dma_wait3A_381 = tpu.memref_squeeze %dma_wait3A_380 : memref<1x100000x32xf32, #tpu.memory_space<hbm>> -> memref<100000x32xf32, #tpu.memory_space<hbm>>
    %dma_wait3A_382 = arith.constant 0 : i32
    %dma_wait3A_383 = arith.constant 0 : i32
    %dma_wait3A_384 = tpu.memref_slice %dma_wait3A_381[%dma_wait3A_382, %dma_wait3A_383] : memref<100000x32xf32, #tpu.memory_space<hbm>> -> memref<100000x32xf32, #tpu.memory_space<hbm>>
    tpu.wait_indirect_dma semaphore(%arg8 : memref<!tpu.dma_semaphore, #tpu.memory_space<semaphore_mem>>) src(%dma_wait3A_384 : memref<100000x32xf32, #tpu.memory_space<hbm>>) dst(%arg6 : memref<128x32xf32, #tpu.memory_space<vmem>>)
    %dma_wait3A_385 = arith.constant 6 : i32
    %dma_wait3A_386 = arith.constant 6 : i32
    %dma_wait3A_387 = arith.constant 0 : i32
    %dma_wait3A_388 = tpu.memref_slice %arg5[%dma_wait3A_386, %dma_wait3A_387] : memref<26x128xi32, #tpu.memory_space<vmem>> -> memref<1x128xi32, #tpu.memory_space<vmem>>
    %dma_wait3A_389 = tpu.memref_squeeze %dma_wait3A_388 : memref<1x128xi32, #tpu.memory_space<vmem>> -> memref<128xi32, #tpu.memory_space<vmem>>
    %dma_wait3A_390 = arith.constant 0 : i32
    %dma_wait3A_391 = arith.constant 0 : i32
    %dma_wait3A_392 = tpu.memref_slice %arg3[%dma_wait3A_385, %dma_wait3A_390, %dma_wait3A_391] : memref<26x100000x32xf32, #tpu.memory_space<hbm>> -> memref<1x100000x32xf32, #tpu.memory_space<hbm>>
    %dma_wait3A_393 = tpu.memref_squeeze %dma_wait3A_392 : memref<1x100000x32xf32, #tpu.memory_space<hbm>> -> memref<100000x32xf32, #tpu.memory_space<hbm>>
    %dma_wait3A_394 = arith.constant 0 : i32
    %dma_wait3A_395 = arith.constant 0 : i32
    %dma_wait3A_396 = tpu.memref_slice %dma_wait3A_393[%dma_wait3A_394, %dma_wait3A_395] : memref<100000x32xf32, #tpu.memory_space<hbm>> -> memref<100000x32xf32, #tpu.memory_space<hbm>>
    tpu.wait_indirect_dma semaphore(%arg8 : memref<!tpu.dma_semaphore, #tpu.memory_space<semaphore_mem>>) src(%dma_wait3A_396 : memref<100000x32xf32, #tpu.memory_space<hbm>>) dst(%arg6 : memref<128x32xf32, #tpu.memory_space<vmem>>)
    %dma_wait3A_397 = arith.constant 7 : i32
    %dma_wait3A_398 = arith.constant 7 : i32
    %dma_wait3A_399 = arith.constant 0 : i32
    %dma_wait3A_400 = tpu.memref_slice %arg5[%dma_wait3A_398, %dma_wait3A_399] : memref<26x128xi32, #tpu.memory_space<vmem>> -> memref<1x128xi32, #tpu.memory_space<vmem>>
    %dma_wait3A_401 = tpu.memref_squeeze %dma_wait3A_400 : memref<1x128xi32, #tpu.memory_space<vmem>> -> memref<128xi32, #tpu.memory_space<vmem>>
    %dma_wait3A_402 = arith.constant 0 : i32
    %dma_wait3A_403 = arith.constant 0 : i32
    %dma_wait3A_404 = tpu.memref_slice %arg3[%dma_wait3A_397, %dma_wait3A_402, %dma_wait3A_403] : memref<26x100000x32xf32, #tpu.memory_space<hbm>> -> memref<1x100000x32xf32, #tpu.memory_space<hbm>>
    %dma_wait3A_405 = tpu.memref_squeeze %dma_wait3A_404 : memref<1x100000x32xf32, #tpu.memory_space<hbm>> -> memref<100000x32xf32, #tpu.memory_space<hbm>>
    %dma_wait3A_406 = arith.constant 0 : i32
    %dma_wait3A_407 = arith.constant 0 : i32
    %dma_wait3A_408 = tpu.memref_slice %dma_wait3A_405[%dma_wait3A_406, %dma_wait3A_407] : memref<100000x32xf32, #tpu.memory_space<hbm>> -> memref<100000x32xf32, #tpu.memory_space<hbm>>
    tpu.wait_indirect_dma semaphore(%arg8 : memref<!tpu.dma_semaphore, #tpu.memory_space<semaphore_mem>>) src(%dma_wait3A_408 : memref<100000x32xf32, #tpu.memory_space<hbm>>) dst(%arg6 : memref<128x32xf32, #tpu.memory_space<vmem>>)
    %dma_wait3A_409 = arith.constant 8 : i32
    %dma_wait3A_410 = arith.constant 8 : i32
    %dma_wait3A_411 = arith.constant 0 : i32
    %dma_wait3A_412 = tpu.memref_slice %arg5[%dma_wait3A_410, %dma_wait3A_411] : memref<26x128xi32, #tpu.memory_space<vmem>> -> memref<1x128xi32, #tpu.memory_space<vmem>>
    %dma_wait3A_413 = tpu.memref_squeeze %dma_wait3A_412 : memref<1x128xi32, #tpu.memory_space<vmem>> -> memref<128xi32, #tpu.memory_space<vmem>>
    %dma_wait3A_414 = arith.constant 0 : i32
    %dma_wait3A_415 = arith.constant 0 : i32
    %dma_wait3A_416 = tpu.memref_slice %arg3[%dma_wait3A_409, %dma_wait3A_414, %dma_wait3A_415] : memref<26x100000x32xf32, #tpu.memory_space<hbm>> -> memref<1x100000x32xf32, #tpu.memory_space<hbm>>
    %dma_wait3A_417 = tpu.memref_squeeze %dma_wait3A_416 : memref<1x100000x32xf32, #tpu.memory_space<hbm>> -> memref<100000x32xf32, #tpu.memory_space<hbm>>
    %dma_wait3A_418 = arith.constant 0 : i32
    %dma_wait3A_419 = arith.constant 0 : i32
    %dma_wait3A_420 = tpu.memref_slice %dma_wait3A_417[%dma_wait3A_418, %dma_wait3A_419] : memref<100000x32xf32, #tpu.memory_space<hbm>> -> memref<100000x32xf32, #tpu.memory_space<hbm>>
    tpu.wait_indirect_dma semaphore(%arg8 : memref<!tpu.dma_semaphore, #tpu.memory_space<semaphore_mem>>) src(%dma_wait3A_420 : memref<100000x32xf32, #tpu.memory_space<hbm>>) dst(%arg6 : memref<128x32xf32, #tpu.memory_space<vmem>>)
    %dma_wait3A_421 = arith.constant 9 : i32
    %dma_wait3A_422 = arith.constant 9 : i32
    %dma_wait3A_423 = arith.constant 0 : i32
    %dma_wait3A_424 = tpu.memref_slice %arg5[%dma_wait3A_422, %dma_wait3A_423] : memref<26x128xi32, #tpu.memory_space<vmem>> -> memref<1x128xi32, #tpu.memory_space<vmem>>
    %dma_wait3A_425 = tpu.memref_squeeze %dma_wait3A_424 : memref<1x128xi32, #tpu.memory_space<vmem>> -> memref<128xi32, #tpu.memory_space<vmem>>
    %dma_wait3A_426 = arith.constant 0 : i32
    %dma_wait3A_427 = arith.constant 0 : i32
    %dma_wait3A_428 = tpu.memref_slice %arg3[%dma_wait3A_421, %dma_wait3A_426, %dma_wait3A_427] : memref<26x100000x32xf32, #tpu.memory_space<hbm>> -> memref<1x100000x32xf32, #tpu.memory_space<hbm>>
    %dma_wait3A_429 = tpu.memref_squeeze %dma_wait3A_428 : memref<1x100000x32xf32, #tpu.memory_space<hbm>> -> memref<100000x32xf32, #tpu.memory_space<hbm>>
    %dma_wait3A_430 = arith.constant 0 : i32
    %dma_wait3A_431 = arith.constant 0 : i32
    %dma_wait3A_432 = tpu.memref_slice %dma_wait3A_429[%dma_wait3A_430, %dma_wait3A_431] : memref<100000x32xf32, #tpu.memory_space<hbm>> -> memref<100000x32xf32, #tpu.memory_space<hbm>>
    tpu.wait_indirect_dma semaphore(%arg8 : memref<!tpu.dma_semaphore, #tpu.memory_space<semaphore_mem>>) src(%dma_wait3A_432 : memref<100000x32xf32, #tpu.memory_space<hbm>>) dst(%arg6 : memref<128x32xf32, #tpu.memory_space<vmem>>)
    %dma_wait3A_433 = arith.constant 10 : i32
    %dma_wait3A_434 = arith.constant 10 : i32
    %dma_wait3A_435 = arith.constant 0 : i32
    %dma_wait3A_436 = tpu.memref_slice %arg5[%dma_wait3A_434, %dma_wait3A_435] : memref<26x128xi32, #tpu.memory_space<vmem>> -> memref<1x128xi32, #tpu.memory_space<vmem>>
    %dma_wait3A_437 = tpu.memref_squeeze %dma_wait3A_436 : memref<1x128xi32, #tpu.memory_space<vmem>> -> memref<128xi32, #tpu.memory_space<vmem>>
    %dma_wait3A_438 = arith.constant 0 : i32
    %dma_wait3A_439 = arith.constant 0 : i32
    %dma_wait3A_440 = tpu.memref_slice %arg3[%dma_wait3A_433, %dma_wait3A_438, %dma_wait3A_439] : memref<26x100000x32xf32, #tpu.memory_space<hbm>> -> memref<1x100000x32xf32, #tpu.memory_space<hbm>>
    %dma_wait3A_441 = tpu.memref_squeeze %dma_wait3A_440 : memref<1x100000x32xf32, #tpu.memory_space<hbm>> -> memref<100000x32xf32, #tpu.memory_space<hbm>>
    %dma_wait3A_442 = arith.constant 0 : i32
    %dma_wait3A_443 = arith.constant 0 : i32
    %dma_wait3A_444 = tpu.memref_slice %dma_wait3A_441[%dma_wait3A_442, %dma_wait3A_443] : memref<100000x32xf32, #tpu.memory_space<hbm>> -> memref<100000x32xf32, #tpu.memory_space<hbm>>
    tpu.wait_indirect_dma semaphore(%arg8 : memref<!tpu.dma_semaphore, #tpu.memory_space<semaphore_mem>>) src(%dma_wait3A_444 : memref<100000x32xf32, #tpu.memory_space<hbm>>) dst(%arg6 : memref<128x32xf32, #tpu.memory_space<vmem>>)
    %dma_wait3A_445 = arith.constant 11 : i32
    %dma_wait3A_446 = arith.constant 11 : i32
    %dma_wait3A_447 = arith.constant 0 : i32
    %dma_wait3A_448 = tpu.memref_slice %arg5[%dma_wait3A_446, %dma_wait3A_447] : memref<26x128xi32, #tpu.memory_space<vmem>> -> memref<1x128xi32, #tpu.memory_space<vmem>>
    %dma_wait3A_449 = tpu.memref_squeeze %dma_wait3A_448 : memref<1x128xi32, #tpu.memory_space<vmem>> -> memref<128xi32, #tpu.memory_space<vmem>>
    %dma_wait3A_450 = arith.constant 0 : i32
    %dma_wait3A_451 = arith.constant 0 : i32
    %dma_wait3A_452 = tpu.memref_slice %arg3[%dma_wait3A_445, %dma_wait3A_450, %dma_wait3A_451] : memref<26x100000x32xf32, #tpu.memory_space<hbm>> -> memref<1x100000x32xf32, #tpu.memory_space<hbm>>
    %dma_wait3A_453 = tpu.memref_squeeze %dma_wait3A_452 : memref<1x100000x32xf32, #tpu.memory_space<hbm>> -> memref<100000x32xf32, #tpu.memory_space<hbm>>
    %dma_wait3A_454 = arith.constant 0 : i32
    %dma_wait3A_455 = arith.constant 0 : i32
    %dma_wait3A_456 = tpu.memref_slice %dma_wait3A_453[%dma_wait3A_454, %dma_wait3A_455] : memref<100000x32xf32, #tpu.memory_space<hbm>> -> memref<100000x32xf32, #tpu.memory_space<hbm>>
    tpu.wait_indirect_dma semaphore(%arg8 : memref<!tpu.dma_semaphore, #tpu.memory_space<semaphore_mem>>) src(%dma_wait3A_456 : memref<100000x32xf32, #tpu.memory_space<hbm>>) dst(%arg6 : memref<128x32xf32, #tpu.memory_space<vmem>>)
    %dma_wait3A_457 = arith.constant 12 : i32
    %dma_wait3A_458 = arith.constant 12 : i32
    %dma_wait3A_459 = arith.constant 0 : i32
    %dma_wait3A_460 = tpu.memref_slice %arg5[%dma_wait3A_458, %dma_wait3A_459] : memref<26x128xi32, #tpu.memory_space<vmem>> -> memref<1x128xi32, #tpu.memory_space<vmem>>
    %dma_wait3A_461 = tpu.memref_squeeze %dma_wait3A_460 : memref<1x128xi32, #tpu.memory_space<vmem>> -> memref<128xi32, #tpu.memory_space<vmem>>
    %dma_wait3A_462 = arith.constant 0 : i32
    %dma_wait3A_463 = arith.constant 0 : i32
    %dma_wait3A_464 = tpu.memref_slice %arg3[%dma_wait3A_457, %dma_wait3A_462, %dma_wait3A_463] : memref<26x100000x32xf32, #tpu.memory_space<hbm>> -> memref<1x100000x32xf32, #tpu.memory_space<hbm>>
    %dma_wait3A_465 = tpu.memref_squeeze %dma_wait3A_464 : memref<1x100000x32xf32, #tpu.memory_space<hbm>> -> memref<100000x32xf32, #tpu.memory_space<hbm>>
    %dma_wait3A_466 = arith.constant 0 : i32
    %dma_wait3A_467 = arith.constant 0 : i32
    %dma_wait3A_468 = tpu.memref_slice %dma_wait3A_465[%dma_wait3A_466, %dma_wait3A_467] : memref<100000x32xf32, #tpu.memory_space<hbm>> -> memref<100000x32xf32, #tpu.memory_space<hbm>>
    tpu.wait_indirect_dma semaphore(%arg8 : memref<!tpu.dma_semaphore, #tpu.memory_space<semaphore_mem>>) src(%dma_wait3A_468 : memref<100000x32xf32, #tpu.memory_space<hbm>>) dst(%arg6 : memref<128x32xf32, #tpu.memory_space<vmem>>)
    %dma_wait3A_469 = arith.constant 13 : i32
    %dma_wait3A_470 = arith.constant 13 : i32
    %dma_wait3A_471 = arith.constant 0 : i32
    %dma_wait3A_472 = tpu.memref_slice %arg5[%dma_wait3A_470, %dma_wait3A_471] : memref<26x128xi32, #tpu.memory_space<vmem>> -> memref<1x128xi32, #tpu.memory_space<vmem>>
    %dma_wait3A_473 = tpu.memref_squeeze %dma_wait3A_472 : memref<1x128xi32, #tpu.memory_space<vmem>> -> memref<128xi32, #tpu.memory_space<vmem>>
    %dma_wait3A_474 = arith.constant 0 : i32
    %dma_wait3A_475 = arith.constant 0 : i32
    %dma_wait3A_476 = tpu.memref_slice %arg3[%dma_wait3A_469, %dma_wait3A_474, %dma_wait3A_475] : memref<26x100000x32xf32, #tpu.memory_space<hbm>> -> memref<1x100000x32xf32, #tpu.memory_space<hbm>>
    %dma_wait3A_477 = tpu.memref_squeeze %dma_wait3A_476 : memref<1x100000x32xf32, #tpu.memory_space<hbm>> -> memref<100000x32xf32, #tpu.memory_space<hbm>>
    %dma_wait3A_478 = arith.constant 0 : i32
    %dma_wait3A_479 = arith.constant 0 : i32
    %dma_wait3A_480 = tpu.memref_slice %dma_wait3A_477[%dma_wait3A_478, %dma_wait3A_479] : memref<100000x32xf32, #tpu.memory_space<hbm>> -> memref<100000x32xf32, #tpu.memory_space<hbm>>
    tpu.wait_indirect_dma semaphore(%arg8 : memref<!tpu.dma_semaphore, #tpu.memory_space<semaphore_mem>>) src(%dma_wait3A_480 : memref<100000x32xf32, #tpu.memory_space<hbm>>) dst(%arg6 : memref<128x32xf32, #tpu.memory_space<vmem>>)
    %dma_wait3A_481 = arith.constant 14 : i32
    %dma_wait3A_482 = arith.constant 14 : i32
    %dma_wait3A_483 = arith.constant 0 : i32
    %dma_wait3A_484 = tpu.memref_slice %arg5[%dma_wait3A_482, %dma_wait3A_483] : memref<26x128xi32, #tpu.memory_space<vmem>> -> memref<1x128xi32, #tpu.memory_space<vmem>>
    %dma_wait3A_485 = tpu.memref_squeeze %dma_wait3A_484 : memref<1x128xi32, #tpu.memory_space<vmem>> -> memref<128xi32, #tpu.memory_space<vmem>>
    %dma_wait3A_486 = arith.constant 0 : i32
    %dma_wait3A_487 = arith.constant 0 : i32
    %dma_wait3A_488 = tpu.memref_slice %arg3[%dma_wait3A_481, %dma_wait3A_486, %dma_wait3A_487] : memref<26x100000x32xf32, #tpu.memory_space<hbm>> -> memref<1x100000x32xf32, #tpu.memory_space<hbm>>
    %dma_wait3A_489 = tpu.memref_squeeze %dma_wait3A_488 : memref<1x100000x32xf32, #tpu.memory_space<hbm>> -> memref<100000x32xf32, #tpu.memory_space<hbm>>
    %dma_wait3A_490 = arith.constant 0 : i32
    %dma_wait3A_491 = arith.constant 0 : i32
    %dma_wait3A_492 = tpu.memref_slice %dma_wait3A_489[%dma_wait3A_490, %dma_wait3A_491] : memref<100000x32xf32, #tpu.memory_space<hbm>> -> memref<100000x32xf32, #tpu.memory_space<hbm>>
    tpu.wait_indirect_dma semaphore(%arg8 : memref<!tpu.dma_semaphore, #tpu.memory_space<semaphore_mem>>) src(%dma_wait3A_492 : memref<100000x32xf32, #tpu.memory_space<hbm>>) dst(%arg6 : memref<128x32xf32, #tpu.memory_space<vmem>>)
    %dma_wait3A_493 = arith.constant 15 : i32
    %dma_wait3A_494 = arith.constant 15 : i32
    %dma_wait3A_495 = arith.constant 0 : i32
    %dma_wait3A_496 = tpu.memref_slice %arg5[%dma_wait3A_494, %dma_wait3A_495] : memref<26x128xi32, #tpu.memory_space<vmem>> -> memref<1x128xi32, #tpu.memory_space<vmem>>
    %dma_wait3A_497 = tpu.memref_squeeze %dma_wait3A_496 : memref<1x128xi32, #tpu.memory_space<vmem>> -> memref<128xi32, #tpu.memory_space<vmem>>
    %dma_wait3A_498 = arith.constant 0 : i32
    %dma_wait3A_499 = arith.constant 0 : i32
    %dma_wait3A_500 = tpu.memref_slice %arg3[%dma_wait3A_493, %dma_wait3A_498, %dma_wait3A_499] : memref<26x100000x32xf32, #tpu.memory_space<hbm>> -> memref<1x100000x32xf32, #tpu.memory_space<hbm>>
    %dma_wait3A_501 = tpu.memref_squeeze %dma_wait3A_500 : memref<1x100000x32xf32, #tpu.memory_space<hbm>> -> memref<100000x32xf32, #tpu.memory_space<hbm>>
    %dma_wait3A_502 = arith.constant 0 : i32
    %dma_wait3A_503 = arith.constant 0 : i32
    %dma_wait3A_504 = tpu.memref_slice %dma_wait3A_501[%dma_wait3A_502, %dma_wait3A_503] : memref<100000x32xf32, #tpu.memory_space<hbm>> -> memref<100000x32xf32, #tpu.memory_space<hbm>>
    tpu.wait_indirect_dma semaphore(%arg8 : memref<!tpu.dma_semaphore, #tpu.memory_space<semaphore_mem>>) src(%dma_wait3A_504 : memref<100000x32xf32, #tpu.memory_space<hbm>>) dst(%arg6 : memref<128x32xf32, #tpu.memory_space<vmem>>)
    %dma_wait3A_505 = arith.constant 16 : i32
    %dma_wait3A_506 = arith.constant 16 : i32
    %dma_wait3A_507 = arith.constant 0 : i32
    %dma_wait3A_508 = tpu.memref_slice %arg5[%dma_wait3A_506, %dma_wait3A_507] : memref<26x128xi32, #tpu.memory_space<vmem>> -> memref<1x128xi32, #tpu.memory_space<vmem>>
    %dma_wait3A_509 = tpu.memref_squeeze %dma_wait3A_508 : memref<1x128xi32, #tpu.memory_space<vmem>> -> memref<128xi32, #tpu.memory_space<vmem>>
    %dma_wait3A_510 = arith.constant 0 : i32
    %dma_wait3A_511 = arith.constant 0 : i32
    %dma_wait3A_512 = tpu.memref_slice %arg3[%dma_wait3A_505, %dma_wait3A_510, %dma_wait3A_511] : memref<26x100000x32xf32, #tpu.memory_space<hbm>> -> memref<1x100000x32xf32, #tpu.memory_space<hbm>>
    %dma_wait3A_513 = tpu.memref_squeeze %dma_wait3A_512 : memref<1x100000x32xf32, #tpu.memory_space<hbm>> -> memref<100000x32xf32, #tpu.memory_space<hbm>>
    %dma_wait3A_514 = arith.constant 0 : i32
    %dma_wait3A_515 = arith.constant 0 : i32
    %dma_wait3A_516 = tpu.memref_slice %dma_wait3A_513[%dma_wait3A_514, %dma_wait3A_515] : memref<100000x32xf32, #tpu.memory_space<hbm>> -> memref<100000x32xf32, #tpu.memory_space<hbm>>
    tpu.wait_indirect_dma semaphore(%arg8 : memref<!tpu.dma_semaphore, #tpu.memory_space<semaphore_mem>>) src(%dma_wait3A_516 : memref<100000x32xf32, #tpu.memory_space<hbm>>) dst(%arg6 : memref<128x32xf32, #tpu.memory_space<vmem>>)
    %dma_wait3A_517 = arith.constant 17 : i32
    %dma_wait3A_518 = arith.constant 17 : i32
    %dma_wait3A_519 = arith.constant 0 : i32
    %dma_wait3A_520 = tpu.memref_slice %arg5[%dma_wait3A_518, %dma_wait3A_519] : memref<26x128xi32, #tpu.memory_space<vmem>> -> memref<1x128xi32, #tpu.memory_space<vmem>>
    %dma_wait3A_521 = tpu.memref_squeeze %dma_wait3A_520 : memref<1x128xi32, #tpu.memory_space<vmem>> -> memref<128xi32, #tpu.memory_space<vmem>>
    %dma_wait3A_522 = arith.constant 0 : i32
    %dma_wait3A_523 = arith.constant 0 : i32
    %dma_wait3A_524 = tpu.memref_slice %arg3[%dma_wait3A_517, %dma_wait3A_522, %dma_wait3A_523] : memref<26x100000x32xf32, #tpu.memory_space<hbm>> -> memref<1x100000x32xf32, #tpu.memory_space<hbm>>
    %dma_wait3A_525 = tpu.memref_squeeze %dma_wait3A_524 : memref<1x100000x32xf32, #tpu.memory_space<hbm>> -> memref<100000x32xf32, #tpu.memory_space<hbm>>
    %dma_wait3A_526 = arith.constant 0 : i32
    %dma_wait3A_527 = arith.constant 0 : i32
    %dma_wait3A_528 = tpu.memref_slice %dma_wait3A_525[%dma_wait3A_526, %dma_wait3A_527] : memref<100000x32xf32, #tpu.memory_space<hbm>> -> memref<100000x32xf32, #tpu.memory_space<hbm>>
    tpu.wait_indirect_dma semaphore(%arg8 : memref<!tpu.dma_semaphore, #tpu.memory_space<semaphore_mem>>) src(%dma_wait3A_528 : memref<100000x32xf32, #tpu.memory_space<hbm>>) dst(%arg6 : memref<128x32xf32, #tpu.memory_space<vmem>>)
    %dma_wait3A_529 = arith.constant 18 : i32
    %dma_wait3A_530 = arith.constant 18 : i32
    %dma_wait3A_531 = arith.constant 0 : i32
    %dma_wait3A_532 = tpu.memref_slice %arg5[%dma_wait3A_530, %dma_wait3A_531] : memref<26x128xi32, #tpu.memory_space<vmem>> -> memref<1x128xi32, #tpu.memory_space<vmem>>
    %dma_wait3A_533 = tpu.memref_squeeze %dma_wait3A_532 : memref<1x128xi32, #tpu.memory_space<vmem>> -> memref<128xi32, #tpu.memory_space<vmem>>
    %dma_wait3A_534 = arith.constant 0 : i32
    %dma_wait3A_535 = arith.constant 0 : i32
    %dma_wait3A_536 = tpu.memref_slice %arg3[%dma_wait3A_529, %dma_wait3A_534, %dma_wait3A_535] : memref<26x100000x32xf32, #tpu.memory_space<hbm>> -> memref<1x100000x32xf32, #tpu.memory_space<hbm>>
    %dma_wait3A_537 = tpu.memref_squeeze %dma_wait3A_536 : memref<1x100000x32xf32, #tpu.memory_space<hbm>> -> memref<100000x32xf32, #tpu.memory_space<hbm>>
    %dma_wait3A_538 = arith.constant 0 : i32
    %dma_wait3A_539 = arith.constant 0 : i32
    %dma_wait3A_540 = tpu.memref_slice %dma_wait3A_537[%dma_wait3A_538, %dma_wait3A_539] : memref<100000x32xf32, #tpu.memory_space<hbm>> -> memref<100000x32xf32, #tpu.memory_space<hbm>>
    tpu.wait_indirect_dma semaphore(%arg8 : memref<!tpu.dma_semaphore, #tpu.memory_space<semaphore_mem>>) src(%dma_wait3A_540 : memref<100000x32xf32, #tpu.memory_space<hbm>>) dst(%arg6 : memref<128x32xf32, #tpu.memory_space<vmem>>)
    %dma_wait3A_541 = arith.constant 19 : i32
    %dma_wait3A_542 = arith.constant 19 : i32
    %dma_wait3A_543 = arith.constant 0 : i32
    %dma_wait3A_544 = tpu.memref_slice %arg5[%dma_wait3A_542, %dma_wait3A_543] : memref<26x128xi32, #tpu.memory_space<vmem>> -> memref<1x128xi32, #tpu.memory_space<vmem>>
    %dma_wait3A_545 = tpu.memref_squeeze %dma_wait3A_544 : memref<1x128xi32, #tpu.memory_space<vmem>> -> memref<128xi32, #tpu.memory_space<vmem>>
    %dma_wait3A_546 = arith.constant 0 : i32
    %dma_wait3A_547 = arith.constant 0 : i32
    %dma_wait3A_548 = tpu.memref_slice %arg3[%dma_wait3A_541, %dma_wait3A_546, %dma_wait3A_547] : memref<26x100000x32xf32, #tpu.memory_space<hbm>> -> memref<1x100000x32xf32, #tpu.memory_space<hbm>>
    %dma_wait3A_549 = tpu.memref_squeeze %dma_wait3A_548 : memref<1x100000x32xf32, #tpu.memory_space<hbm>> -> memref<100000x32xf32, #tpu.memory_space<hbm>>
    %dma_wait3A_550 = arith.constant 0 : i32
    %dma_wait3A_551 = arith.constant 0 : i32
    %dma_wait3A_552 = tpu.memref_slice %dma_wait3A_549[%dma_wait3A_550, %dma_wait3A_551] : memref<100000x32xf32, #tpu.memory_space<hbm>> -> memref<100000x32xf32, #tpu.memory_space<hbm>>
    tpu.wait_indirect_dma semaphore(%arg8 : memref<!tpu.dma_semaphore, #tpu.memory_space<semaphore_mem>>) src(%dma_wait3A_552 : memref<100000x32xf32, #tpu.memory_space<hbm>>) dst(%arg6 : memref<128x32xf32, #tpu.memory_space<vmem>>)
    %dma_wait3A_553 = arith.constant 20 : i32
    %dma_wait3A_554 = arith.constant 20 : i32
    %dma_wait3A_555 = arith.constant 0 : i32
    %dma_wait3A_556 = tpu.memref_slice %arg5[%dma_wait3A_554, %dma_wait3A_555] : memref<26x128xi32, #tpu.memory_space<vmem>> -> memref<1x128xi32, #tpu.memory_space<vmem>>
    %dma_wait3A_557 = tpu.memref_squeeze %dma_wait3A_556 : memref<1x128xi32, #tpu.memory_space<vmem>> -> memref<128xi32, #tpu.memory_space<vmem>>
    %dma_wait3A_558 = arith.constant 0 : i32
    %dma_wait3A_559 = arith.constant 0 : i32
    %dma_wait3A_560 = tpu.memref_slice %arg3[%dma_wait3A_553, %dma_wait3A_558, %dma_wait3A_559] : memref<26x100000x32xf32, #tpu.memory_space<hbm>> -> memref<1x100000x32xf32, #tpu.memory_space<hbm>>
    %dma_wait3A_561 = tpu.memref_squeeze %dma_wait3A_560 : memref<1x100000x32xf32, #tpu.memory_space<hbm>> -> memref<100000x32xf32, #tpu.memory_space<hbm>>
    %dma_wait3A_562 = arith.constant 0 : i32
    %dma_wait3A_563 = arith.constant 0 : i32
    %dma_wait3A_564 = tpu.memref_slice %dma_wait3A_561[%dma_wait3A_562, %dma_wait3A_563] : memref<100000x32xf32, #tpu.memory_space<hbm>> -> memref<100000x32xf32, #tpu.memory_space<hbm>>
    tpu.wait_indirect_dma semaphore(%arg8 : memref<!tpu.dma_semaphore, #tpu.memory_space<semaphore_mem>>) src(%dma_wait3A_564 : memref<100000x32xf32, #tpu.memory_space<hbm>>) dst(%arg6 : memref<128x32xf32, #tpu.memory_space<vmem>>)
    %dma_wait3A_565 = arith.constant 21 : i32
    %dma_wait3A_566 = arith.constant 21 : i32
    %dma_wait3A_567 = arith.constant 0 : i32
    %dma_wait3A_568 = tpu.memref_slice %arg5[%dma_wait3A_566, %dma_wait3A_567] : memref<26x128xi32, #tpu.memory_space<vmem>> -> memref<1x128xi32, #tpu.memory_space<vmem>>
    %dma_wait3A_569 = tpu.memref_squeeze %dma_wait3A_568 : memref<1x128xi32, #tpu.memory_space<vmem>> -> memref<128xi32, #tpu.memory_space<vmem>>
    %dma_wait3A_570 = arith.constant 0 : i32
    %dma_wait3A_571 = arith.constant 0 : i32
    %dma_wait3A_572 = tpu.memref_slice %arg3[%dma_wait3A_565, %dma_wait3A_570, %dma_wait3A_571] : memref<26x100000x32xf32, #tpu.memory_space<hbm>> -> memref<1x100000x32xf32, #tpu.memory_space<hbm>>
    %dma_wait3A_573 = tpu.memref_squeeze %dma_wait3A_572 : memref<1x100000x32xf32, #tpu.memory_space<hbm>> -> memref<100000x32xf32, #tpu.memory_space<hbm>>
    %dma_wait3A_574 = arith.constant 0 : i32
    %dma_wait3A_575 = arith.constant 0 : i32
    %dma_wait3A_576 = tpu.memref_slice %dma_wait3A_573[%dma_wait3A_574, %dma_wait3A_575] : memref<100000x32xf32, #tpu.memory_space<hbm>> -> memref<100000x32xf32, #tpu.memory_space<hbm>>
    tpu.wait_indirect_dma semaphore(%arg8 : memref<!tpu.dma_semaphore, #tpu.memory_space<semaphore_mem>>) src(%dma_wait3A_576 : memref<100000x32xf32, #tpu.memory_space<hbm>>) dst(%arg6 : memref<128x32xf32, #tpu.memory_space<vmem>>)
    %dma_wait3A_577 = arith.constant 22 : i32
    %dma_wait3A_578 = arith.constant 22 : i32
    %dma_wait3A_579 = arith.constant 0 : i32
    %dma_wait3A_580 = tpu.memref_slice %arg5[%dma_wait3A_578, %dma_wait3A_579] : memref<26x128xi32, #tpu.memory_space<vmem>> -> memref<1x128xi32, #tpu.memory_space<vmem>>
    %dma_wait3A_581 = tpu.memref_squeeze %dma_wait3A_580 : memref<1x128xi32, #tpu.memory_space<vmem>> -> memref<128xi32, #tpu.memory_space<vmem>>
    %dma_wait3A_582 = arith.constant 0 : i32
    %dma_wait3A_583 = arith.constant 0 : i32
    %dma_wait3A_584 = tpu.memref_slice %arg3[%dma_wait3A_577, %dma_wait3A_582, %dma_wait3A_583] : memref<26x100000x32xf32, #tpu.memory_space<hbm>> -> memref<1x100000x32xf32, #tpu.memory_space<hbm>>
    %dma_wait3A_585 = tpu.memref_squeeze %dma_wait3A_584 : memref<1x100000x32xf32, #tpu.memory_space<hbm>> -> memref<100000x32xf32, #tpu.memory_space<hbm>>
    %dma_wait3A_586 = arith.constant 0 : i32
    %dma_wait3A_587 = arith.constant 0 : i32
    %dma_wait3A_588 = tpu.memref_slice %dma_wait3A_585[%dma_wait3A_586, %dma_wait3A_587] : memref<100000x32xf32, #tpu.memory_space<hbm>> -> memref<100000x32xf32, #tpu.memory_space<hbm>>
    tpu.wait_indirect_dma semaphore(%arg8 : memref<!tpu.dma_semaphore, #tpu.memory_space<semaphore_mem>>) src(%dma_wait3A_588 : memref<100000x32xf32, #tpu.memory_space<hbm>>) dst(%arg6 : memref<128x32xf32, #tpu.memory_space<vmem>>)
    %dma_wait3A_589 = arith.constant 23 : i32
    %dma_wait3A_590 = arith.constant 23 : i32
    %dma_wait3A_591 = arith.constant 0 : i32
    %dma_wait3A_592 = tpu.memref_slice %arg5[%dma_wait3A_590, %dma_wait3A_591] : memref<26x128xi32, #tpu.memory_space<vmem>> -> memref<1x128xi32, #tpu.memory_space<vmem>>
    %dma_wait3A_593 = tpu.memref_squeeze %dma_wait3A_592 : memref<1x128xi32, #tpu.memory_space<vmem>> -> memref<128xi32, #tpu.memory_space<vmem>>
    %dma_wait3A_594 = arith.constant 0 : i32
    %dma_wait3A_595 = arith.constant 0 : i32
    %dma_wait3A_596 = tpu.memref_slice %arg3[%dma_wait3A_589, %dma_wait3A_594, %dma_wait3A_595] : memref<26x100000x32xf32, #tpu.memory_space<hbm>> -> memref<1x100000x32xf32, #tpu.memory_space<hbm>>
    %dma_wait3A_597 = tpu.memref_squeeze %dma_wait3A_596 : memref<1x100000x32xf32, #tpu.memory_space<hbm>> -> memref<100000x32xf32, #tpu.memory_space<hbm>>
    %dma_wait3A_598 = arith.constant 0 : i32
    %dma_wait3A_599 = arith.constant 0 : i32
    %dma_wait3A_600 = tpu.memref_slice %dma_wait3A_597[%dma_wait3A_598, %dma_wait3A_599] : memref<100000x32xf32, #tpu.memory_space<hbm>> -> memref<100000x32xf32, #tpu.memory_space<hbm>>
    tpu.wait_indirect_dma semaphore(%arg8 : memref<!tpu.dma_semaphore, #tpu.memory_space<semaphore_mem>>) src(%dma_wait3A_600 : memref<100000x32xf32, #tpu.memory_space<hbm>>) dst(%arg6 : memref<128x32xf32, #tpu.memory_space<vmem>>)
    %dma_wait3A_601 = arith.constant 24 : i32
    %dma_wait3A_602 = arith.constant 24 : i32
    %dma_wait3A_603 = arith.constant 0 : i32
    %dma_wait3A_604 = tpu.memref_slice %arg5[%dma_wait3A_602, %dma_wait3A_603] : memref<26x128xi32, #tpu.memory_space<vmem>> -> memref<1x128xi32, #tpu.memory_space<vmem>>
    %dma_wait3A_605 = tpu.memref_squeeze %dma_wait3A_604 : memref<1x128xi32, #tpu.memory_space<vmem>> -> memref<128xi32, #tpu.memory_space<vmem>>
    %dma_wait3A_606 = arith.constant 0 : i32
    %dma_wait3A_607 = arith.constant 0 : i32
    %dma_wait3A_608 = tpu.memref_slice %arg3[%dma_wait3A_601, %dma_wait3A_606, %dma_wait3A_607] : memref<26x100000x32xf32, #tpu.memory_space<hbm>> -> memref<1x100000x32xf32, #tpu.memory_space<hbm>>
    %dma_wait3A_609 = tpu.memref_squeeze %dma_wait3A_608 : memref<1x100000x32xf32, #tpu.memory_space<hbm>> -> memref<100000x32xf32, #tpu.memory_space<hbm>>
    %dma_wait3A_610 = arith.constant 0 : i32
    %dma_wait3A_611 = arith.constant 0 : i32
    %dma_wait3A_612 = tpu.memref_slice %dma_wait3A_609[%dma_wait3A_610, %dma_wait3A_611] : memref<100000x32xf32, #tpu.memory_space<hbm>> -> memref<100000x32xf32, #tpu.memory_space<hbm>>
    tpu.wait_indirect_dma semaphore(%arg8 : memref<!tpu.dma_semaphore, #tpu.memory_space<semaphore_mem>>) src(%dma_wait3A_612 : memref<100000x32xf32, #tpu.memory_space<hbm>>) dst(%arg6 : memref<128x32xf32, #tpu.memory_space<vmem>>)
    %dma_wait3A_613 = arith.constant 25 : i32
    %dma_wait3A_614 = arith.constant 25 : i32
    %dma_wait3A_615 = arith.constant 0 : i32
    %dma_wait3A_616 = tpu.memref_slice %arg5[%dma_wait3A_614, %dma_wait3A_615] : memref<26x128xi32, #tpu.memory_space<vmem>> -> memref<1x128xi32, #tpu.memory_space<vmem>>
    %dma_wait3A_617 = tpu.memref_squeeze %dma_wait3A_616 : memref<1x128xi32, #tpu.memory_space<vmem>> -> memref<128xi32, #tpu.memory_space<vmem>>
    %dma_wait3A_618 = arith.constant 0 : i32
    %dma_wait3A_619 = arith.constant 0 : i32
    %dma_wait3A_620 = tpu.memref_slice %arg3[%dma_wait3A_613, %dma_wait3A_618, %dma_wait3A_619] : memref<26x100000x32xf32, #tpu.memory_space<hbm>> -> memref<1x100000x32xf32, #tpu.memory_space<hbm>>
    %dma_wait3A_621 = tpu.memref_squeeze %dma_wait3A_620 : memref<1x100000x32xf32, #tpu.memory_space<hbm>> -> memref<100000x32xf32, #tpu.memory_space<hbm>>
    %dma_wait3A_622 = arith.constant 0 : i32
    %dma_wait3A_623 = arith.constant 0 : i32
    %dma_wait3A_624 = tpu.memref_slice %dma_wait3A_621[%dma_wait3A_622, %dma_wait3A_623] : memref<100000x32xf32, #tpu.memory_space<hbm>> -> memref<100000x32xf32, #tpu.memory_space<hbm>>
    tpu.wait_indirect_dma semaphore(%arg8 : memref<!tpu.dma_semaphore, #tpu.memory_space<semaphore_mem>>) src(%dma_wait3A_624 : memref<100000x32xf32, #tpu.memory_space<hbm>>) dst(%arg6 : memref<128x32xf32, #tpu.memory_space<vmem>>)
    "tpu.region"() ({
      %run_scoped3A = tpu.sem_alloc : memref<!tpu.dma_semaphore, #tpu.memory_space<semaphore_mem>>
      %dma_start3A_625 = arith.constant 0 : i32
      %dma_start3A_626 = tpu.memref_slice %arg4[%mul3A_2, %dma_start3A_625] : memref<4096x32xf32, #tpu.memory_space<hbm>> -> memref<128x32xf32, #tpu.memory_space<hbm>>
      %dma_start3A_627 = arith.constant 0 : i32
      %dma_start3A_628 = tpu.memref_slice %arg4[%mul3A_2, %dma_start3A_627] : memref<4096x32xf32, #tpu.memory_space<hbm>> -> memref<128x32xf32, #tpu.memory_space<hbm>>
      tpu.enqueue_dma source(%arg6 : memref<128x32xf32, #tpu.memory_space<vmem>>) target(%dma_start3A_628 : memref<128x32xf32, #tpu.memory_space<hbm>>) target_semaphore(%run_scoped3A : memref<!tpu.dma_semaphore, #tpu.memory_space<semaphore_mem>>)
      %dma_wait3A_629 = arith.constant 0 : i32
      %dma_wait3A_630 = tpu.memref_slice %arg4[%mul3A_2, %dma_wait3A_629] : memref<4096x32xf32, #tpu.memory_space<hbm>> -> memref<128x32xf32, #tpu.memory_space<hbm>>
      %dma_wait3A_631 = arith.constant 0 : i32
      %dma_wait3A_632 = tpu.memref_slice %arg4[%mul3A_2, %dma_wait3A_631] : memref<4096x32xf32, #tpu.memory_space<hbm>> -> memref<128x32xf32, #tpu.memory_space<hbm>>
      tpu.wait_dma2 semaphore(%run_scoped3A : memref<!tpu.dma_semaphore, #tpu.memory_space<semaphore_mem>>) src(%arg6 : memref<128x32xf32, #tpu.memory_space<vmem>>) dst(%dma_wait3A_632 : memref<128x32xf32, #tpu.memory_space<hbm>>)
      tpu.yield
    }) : () -> ()
    return
  }
}

</mosaic_0001>

<sc_bundles>
// kernel: kernel.3.cloned.1.call-start
scs
__scs_entry_jumppad:
0x0: {  	(pc) =	sbr.rel $0x88, $3  }
0x1: {  	(tag) =	ssettag $0x0;
	lr =	simm.s32 $0x1  }
0x2: {  	[smem:$0x3F9F] =	sst lr;
	_ =	strace $0xD0000000  }
0x3: {  	_ = 	snop  }
0x4: {  	_ = 	snop  }
0x5: {  	_ = 	snop  }
0x6: {  	_ = 	snop  }
0x7: {  	_ = 	snop  }
__scs_overlays_trampoline_lowered:
0x8: {  	[smem:$0x3FAE] =	sst s0  }
0x9: {  	[smem:$0x3FAF] =	sst s1  }
0xa: {  	[smem:$0x3FB0] =	sst s2  }
0xb: {  	[smem:$0x3FB1] =	sst s3  }
0xc: {  	[smem:$0x3FB2] =	sst s4  }
0xd: {  	[smem:$0x3FB3] =	sst s5  }
0xe: {  	[smem:$0x3FB4] =	sst s6  }
0xf: {  	[smem:$0x3FB5] =	sst s7  }
0x10: {  	[smem:$0x3FB6] =	sst s8  }
0x11: {  	[smem:$0x3FB7] =	sst s9;
	s0 =	simm.s32 @!p0 $0x0  }
0x12: {  	s1 =	sld [smem:$0x3F9D];
	s0 =	simm.s32 @p0 $0x1  }
0x13: {  	[smem:$0x3FB8] =	sst s0;
	s0 =	simm.s32 @!p1 $0x0  }
0x14: {  	s2 =	sld [smem:$0x3F9C];
	s0 =	simm.s32 @p1 $0x1  }
0x15: {  	[smem:$0x3FB9] =	sst s0;
	s0 =	simm.s32 @!p2 $0x0  }
0x16: {  	s3 =	sld [smem:$0x3FDB];
	s0 =	simm.s32 @p2 $0x1  }
0x17: {  	s4 =	simm.s32 $0x1BF5;
	[smem:$0x3FBB] =	sst s0  }
0x18: {  	s0 =	sld [smem:$0x3F9E];
	_ =	swait.ge [sflag:s4], $0x0  }
0x19: {  	s7 =	sld [smem:$0x3F9F]  }
0x1a: {  	s8 =	sadd.s32 $0xFFFFE003, lr  }
0x1b: {  	s9 =	sadd.s32 $0xFFFFFEF7, lr;
	s5 =	simm.s32 $0xFFFFFFFF;
	p2 =	slt.u32 s8, $0xFFFFF086  }
0x1c: {  	p1 =	slt.u32 s9, $0xF7A;
	s5 =	simm.s32 @!p2 $0x0  }
0x1d: {  	s5 =	simm.s32 @p1 $0x1;
	p0 =	seq.s32 s7, s2  }
0x1e: {  	s7 =	smul.u32 @!p0 $0xF7A, s2;
	p2 =	seq.s32 @!p0 s5, $0x0  }
0x1f: {  	s9 =	smul.u32 $0xF7A, s1;
	s8 =	simm.s32 @!p0 $0x1BF5;
	p2 =	por !p2, p0  }
0x20: {  	[sflag:s8] =	ssyncset.s32 @!p0 $0xFFFFF086;
	s6 =	sadd.s32 @!p0 s3, s7;
	s7 =	simm.s32 @!p0 $0x108  }
0x21: {  	s3 =	sadd.s32 s3, s9;
	s6 =	sadd.s32 @!p0 $0x88, s6;
	s7 =	simm.s32 @p2 $0x1082  }
0x22: {  	[simem:s7], [sflag:s8] =	dma.local @!p0 [hbm:s6], $0xF7A  }
0x23: {  	s9 =	sor.u32 $0xD0000000, s2;
	s6 =	simm.s32 $0x108;
	_ =	swait.ge @!p0 [sflag:s8], $0x0  }
0x24: {  	s3 =	sadd.s32 $0x88, s3;
	s6 =	simm.s32 @!p1 $0x1082;
	[sflag:s4] =	ssyncset.s32 $0xFFFFF086  }
0x25: {  	[simem:s6], [sflag:s4] =	dma.local [hbm:s3], $0xF7A  }
0x26: {  	[smem:$0x3F9F] =	sst s1;
	(tag) =	ssettag s2;
	_ =	strace s9  }
0x27: {  	s1 =	sld [smem:$0x3FAF]  }
0x28: {  	s2 =	sld [smem:$0x3FB0]  }
0x29: {  	s4 =	sld [smem:$0x3FB2]  }
0x2a: {  	p0 =	seq.s32 s5, $0x0;
	s5 =	sld [smem:$0x3FB3]  }
0x2b: {  	s6 =	sld [smem:$0x3FB4]  }
0x2c: {  	s7 =	sld [smem:$0x3FB5]  }
0x2d: {  	s3 =	simm.s32 $0x108;
	s8 =	sld [smem:$0x3FB6]  }
0x2e: {  	s3 =	simm.s32 @!p0 $0x1082;
	s9 =	sld [smem:$0x3FB7]  }
0x2f: {  	lr =	sadd.s32 s0, s3;
	s0 =	sld [smem:$0x3FAE]  }
0x30: {  	s3 =	sld [smem:$0x3FB1]  }
0x31: {  	[smem:$0x3FBA] =	sst s10  }
0x32: {  	s10 =	sld [smem:$0x3FB8];
	_ =	sdelay $0x3  }
0x33: {  	p0 =	seq.s32 s10, $0x1;
	s10 =	sld [smem:$0x3FBA];
	_ =	sdelay $0x3  }
0x34: {  	[smem:$0x3FBA] =	sst s10  }
0x35: {  	s10 =	sld [smem:$0x3FB9];
	_ =	sdelay $0x3  }
0x36: {  	p1 =	seq.s32 s10, $0x1;
	s10 =	sld [smem:$0x3FBA];
	_ =	sdelay $0x3  }
0x37: {  	[smem:$0x3FBA] =	sst s10  }
0x38: {  	s10 =	sld [smem:$0x3FBB]  }
0x39: {  	_ = 	snop;
	(pc) =	sbr.ind lr, $3  }
0x3a: {  	_ = 	snop  }
0x3b: {  	_ = 	snop  }
0x3c: {  	p2 =	seq.s32 s10, $0x1;
	s10 =	sld [smem:$0x3FBA]  }
0x3d: {  	_ =	shalt  }
0x3e: {  	_ =	shalt  }
0x3f: {  	_ =	shalt  }
0x40: {  	_ =	shalt  }
0x41: {  	_ =	shalt  }
0x42: {  	_ =	shalt  }
0x43: {  	_ =	shalt  }
0x44: {  	_ =	shalt  }
0x45: {  	_ =	shalt  }
0x46: {  	_ =	shalt  }
0x47: {  	_ =	shalt  }
0x48: {  	_ =	shalt  }
0x49: {  	_ =	shalt  }
0x4a: {  	_ =	shalt  }
0x4b: {  	_ =	shalt  }
0x4c: {  	_ =	shalt  }
0x4d: {  	_ =	shalt  }
0x4e: {  	_ =	shalt  }
0x4f: {  	_ =	shalt  }
0x50: {  	_ =	shalt  }
0x51: {  	_ =	shalt  }
0x52: {  	_ =	shalt  }
0x53: {  	_ =	shalt  }
0x54: {  	_ =	shalt  }
0x55: {  	_ =	shalt  }
0x56: {  	_ =	shalt  }
0x57: {  	_ =	shalt  }
0x58: {  	_ =	shalt  }
0x59: {  	_ =	shalt  }
0x5a: {  	_ =	shalt  }
0x5b: {  	_ =	shalt  }
0x5c: {  	_ =	shalt  }
0x5d: {  	_ =	shalt  }
0x5e: {  	_ =	shalt  }
0x5f: {  	_ =	shalt  }
0x60: {  	_ =	shalt  }
0x61: {  	_ =	shalt  }
0x62: {  	_ =	shalt  }
0x63: {  	_ =	shalt  }
0x64: {  	_ =	shalt  }
0x65: {  	_ =	shalt  }
0x66: {  	_ =	shalt  }
0x67: {  	_ =	shalt  }
0x68: {  	_ =	shalt  }
0x69: {  	_ =	shalt  }
0x6a: {  	_ =	shalt  }
0x6b: {  	_ =	shalt  }
0x6c: {  	_ =	shalt  }
0x6d: {  	_ =	shalt  }
0x6e: {  	_ =	shalt  }
0x6f: {  	_ =	shalt  }
0x70: {  	_ =	shalt  }
0x71: {  	_ =	shalt  }
0x72: {  	_ =	shalt  }
0x73: {  	_ =	shalt  }
0x74: {  	_ =	shalt  }
0x75: {  	_ =	shalt  }
0x76: {  	_ =	shalt  }
0x77: {  	_ =	shalt  }
0x78: {  	_ =	shalt  }
0x79: {  	_ =	shalt  }
0x7a: {  	_ =	shalt  }
0x7b: {  	_ =	shalt  }
0x7c: {  	_ =	shalt  }
0x7d: {  	_ =	shalt  }
0x7e: {  	_ =	shalt  }
0x7f: {  	_ =	shalt  }
0x80: {  	_ =	shalt  }
0x81: {  	_ =	shalt  }
0x82: {  	_ =	shalt  }
0x83: {  	_ =	shalt  }
0x84: {  	_ =	shalt  }
0x85: {  	_ =	shalt  }
0x86: {  	_ =	shalt  }
0x87: {  	_ =	shalt  }
.Lfunc_end0:
.L_simem_size_0:
called_computation_lowered:
.L_overlay_start_0:
0x88: {  	s2 =	sld [smem:$0x3FD9]  }
0x89: {  	s3 =	sld [smem:$0x3FFE];
	_ =	sdelay $0x1  }
0x8a: {  	s1 =	srdreg.scid  }
0x8b: {  	s0 =	sand.u32 $0x1, s1  }
0x8c: {  	s17 =	sshll.u32 s0, $0xA;
	s2 =	sadd.s32 s3, s2  }
0x8d: {  	s2 =	sadd.s32 s2, s17  }
0x8e: {  	[smem:$0x3FC6] =	sst s2  }
0x8f: {  	_ = 	snop  }
0x90: {  	s2 =	sld [smem:$0x3FD0];
	(tm) =	ssettm $0x1  }
0x91: {  	s18 =	sld [smem:$0x3FFB];
	_ =	sdelay $0x3  }
0x92: {  	_ =	strace s18  }
0x93: {  	s3 =	sld [smem:$0x3FFC];
	_ =	sdelay $0x3  }
0x94: {  	_ =	strace s3  }
0x95: {  	s3 =	sld [smem:$0x3FFD];
	_ =	sdelay $0x3  }
0x96: {  	_ =	strace s3  }
0x97: {  	_ =	strace $0x8FFFFFFF  }
0x98: {  	s19 =	sld [smem:$0x3FDB];
	_ =	sdelay $0x1  }
0x99: {  	s4 =	simm.s32 $_scs_section_size  }
0x9a: {  	s5 =	simm.s32 $_size__tile_overlayer_lowered;
	s6 =	simm.s32 $_tile_overlayer_lowered  }
0x9b: {  	s22 =	simm.s32 $0x1BFF;
	s21 =	sshll.u32 s6, $0x1;
	s3 =	sadd.s32 s4, s19  }
0x9c: {  	s7 =	simm.s32 $0x0;
	s20 =	sshll.u32 s5, $0x1;
	s5 =	sadd.s32 s21, s3  }
0x9d: {  	[timem:s7], [sflag:s22] =	dma.local [hbm:s5], s20  }
0x9e: {  	_ =	swait.ge [sflag:s22], s20  }
0x9f: {  	s4 =	ssub.s32 $0x0, s20;
	[sflag:s22] =	ssyncset.done $0x0  }
0xa0: {  	[sflag:s22] =	ssyncadd.s32 s4;
	_ =	sdelay $0x1  }
0xa1: {  	s23 =	simm.s32 $0x1B8B  }
0xa2: {  	_ =	swait.ge [sflag:s23], $0x1  }
0xa3: {  	[sflag:s23] =	ssyncset.done $0x0  }
0xa4: {  	s25 =	simm.s32 $0x1B8E;
	s24 =	sld [smem:$0x3FFE];
	[sflag:s23] =	ssyncadd.s32 $0xFFFFFFFF  }
0xa5: {  	s26 =	simm.s32 $execute0_lowered;
	[smem:$0x3FD2] =	sst s25  }
0xa6: {  	s5 =	sshll.u32 s26, $0x1;
	_ =	strace $0x80000046;
	[dreg:$0x1] =	wrdreg $0xFFFFFFFF  }
0xa7: {  	s28 =	simm.s32 $_size_execute0_lowered;
	s3 =	sadd.s32 s3, s5;
	[dreg:$0x0] =	wrdreg $0x0  }
0xa8: {  	s5 =	sshll.u32 s28, $0x1;
	[dreg:$0x2] =	wrdreg s3  }
0xa9: {  	[dreg:$0x3] =	wrdreg s5  }
0xaa: {  	[dreg:$0x4] =	wrdreg $0xC0  }
0xab: {  	_ =	task [dreg:s7], $0x5FFFF  }
0xac: {  	[dreg:$0x1] =	wrdreg $0xFFFFFFFF  }
0xad: {  	[dreg:$0x0] =	wrdreg $0x60  }
0xae: {  	[dreg:$0x2] =	wrdreg s24  }
0xaf: {  	[dreg:$0x3] =	wrdreg s2  }
0xb0: {  	[dreg:$0x4] =	wrdreg $0x9  }
0xb1: {  	_ =	task.clear_ibuf [dreg:s7], $0x5FFFF;
	_ =	strace $0x90000046  }
0xb2: {  	s29 =	simm.s32 $0x9;
	_ =	strace $0x80000048  }
0xb3: {  	_ =	swait.ge [sflag:s29], $0x1  }
0xb4: {  	[sflag:s29] =	ssyncadd.s32 $0xFFFFFFFF  }
0xb5: {  	_ =	strace $0x90000048  }
0xb6: {  	_ =	sfence  }
0xb7: {  	s30 =	sld [smem:$0x0];
	_ =	sdelay $0x2  }
0xb8: {  	s31 =	sshll.u32 s1, $0xD;
	s1 =	sshrl.u32 s1, $0x2  }
0xb9: {  	s3 =	sand.u32 $0x4000, s31;
	s1 =	sadd.s32 s1, s30  }
0xba: {  	s0 =	sor.u32 s3, s0;
	s1 =	sshll.u32 s1, $0x11  }
0xbb: {  	s0 =	sor.u32 s1, s0  }
0xbc: {  	s0 =	sadd.s32 $0x8F2B, s0  }
0xbd: {  	[sflag:s0] =	ssyncadd.remote.s32 $0x1  }
0xbe: {  	_ =	sfence.sel $0xFFFF  }
0xbf: {  	[dreg:$0x0] =	wrdreg $0xFFFFFFFF;
	(pc) =	sbr.abs _section_cstart, $3  }
0xc0: {  	[dreg:$0x1] =	wrdreg $0xFFFFFFFF  }
0xc1: {  	_ =	task.clear_ibuf [dreg:s7], $0x2FFFF;
	_ =	strace $0x9FFFFFFF  }
0xc2: {  	(tm) =	ssettm $0x7FFFFFFF  }
0xc3: {  	_ =	shalt  }
tec
execute0_lowered:
.L_overlay_start_1:
0x0: {  	(tag) =	ssettag $0x1  }
0x1: {  	s3 =	rddreg [dreg:$0x0];
	s2 =	stileid.u32  }
0x2: {  	s1 =	rddreg [dreg:$0x1];
	s4 =	sshll.u32 s2, $0x8;
	s2 =	simm.s32 $0x0  }
0x3: {  	s6 =	sadd.s32 $0x27ACA00, s3;
	[smem:$0x7FF] =	sst s2  }
0x4: {  	s21 =	sadd.s32 $0x280E480, s3;
	_ =	strace $0x80000047;
	[dreg:$0x3] =	wrdreg s6  }
0x5: {  	s22 =	sadd.s32 $0x286FF00, s3;
	[dreg:$0x5] =	wrdreg s21  }
0x6: {  	s23 =	sadd.s32 $0x28D1980, s3;
	[dreg:$0x6] =	wrdreg s22  }
0x7: {  	s24 =	sadd.s32 $0x2933400, s3;
	[dreg:$0x7] =	wrdreg s23  }
0x8: {  	s25 =	sadd.s32 $0x2994E80, s3;
	[dreg:$0x8] =	wrdreg s24  }
0x9: {  	s26 =	sadd.s32 $0x29F6900, s3;
	[dreg:$0x9] =	wrdreg s25  }
0xa: {  	s7 =	sadd.s32 $0x2AB9E00, s3;
	[dreg:$0xa] =	wrdreg s26  }
0xb: {  	s8 =	sadd.s32 $0x2B1B880, s3;
	[dreg:$0xc] =	wrdreg s7  }
0xc: {  	s0 =	srdreg.scid;
	s9 =	sadd.s32 $0x2B7D300, s3;
	[dreg:$0xd] =	wrdreg s8  }
0xd: {  	s31 =	simm.s32 $0x1;
	s10 =	sadd.s32 $0x2BDED80, s3;
	[dreg:$0xe] =	wrdreg s9  }
0xe: {  	s30 =	simm.s32 $0x180;
	s11 =	sadd.s32 $0x2C40800, s3;
	[dreg:$0xf] =	wrdreg s10  }
0xf: {  	s29 =	simm.s32 $0x280;
	s12 =	sadd.s32 $0x2CA2280, s3;
	[dreg:$0x10] =	wrdreg s11  }
0x10: {  	s28 =	simm.s32 $0x300;
	s13 =	sadd.s32 $0x2D03D00, s3;
	[dreg:$0x11] =	wrdreg s12  }
0x11: {  	p0 =	por $0x0, $0x0;
	s14 =	sadd.s32 $0x2D65780, s3;
	[dreg:$0x12] =	wrdreg s13  }
0x12: {  	s0 =	sand.u32 $0x1, s0;
	s15 =	sadd.s32 $0x2DC7200, s3;
	[dreg:$0x13] =	wrdreg s14  }
0x13: {  	s16 =	sadd.s32 $0x2E28C80, s3;
	s17 =	sadd.s32 $0x2E8A700, s3;
	[dreg:$0x14] =	wrdreg s15  }
0x14: {  	s18 =	sadd.s32 $0x2EEC180, s3;
	s19 =	sadd.s32 $0x2F4DC00, s3;
	[dreg:$0x15] =	wrdreg s16  }
0x15: {  	s20 =	sadd.s32 $0x2FAF680, s3;
	s5 =	sshll.u32 s0, $0x7;
	[dreg:$0x16] =	wrdreg s17  }
0x16: {  	s0 =	ssub.s32 $0x2, s0;
	s4 =	sor.u32 s5, s4;
	[dreg:$0x17] =	wrdreg s18  }
0x17: {  	s6 =	sadd.s32 $0x2A58380, s3;
	[dreg:$0x18] =	wrdreg s19;
	s21 =	sadd.s32 $0x3011100, s3  }
0x18: {  	[dreg:$0x19] =	wrdreg s20;
	s22 =	sadd.s32 $0x3072B80, s3;
	s23 =	sadd.s32 $0x30D4600, s3  }
0x19: {  	s24 =	sshrl.u32 s0, $0x1;
	s25 =	simm.s32 $0x1000;
	[dreg:$0xb] =	wrdreg s6  }
0x1a: {  	s26 =	simm.s32 $0x100;
	s8 =	simm.s32 $0x200;
	[dreg:$0x1a] =	wrdreg s21  }
0x1b: {  	s9 =	simm.s32 $0x500;
	s5 =	sshrl.u32 s4, $0x3;
	[dreg:$0x1b] =	wrdreg s22  }
0x1c: {  	[dreg:$0x1c] =	wrdreg s23;
	s4 =	sshll.u32 s4, $0x2;
	s0 =	ssub.s32 s0, s24  }
0x1d: {  	s6 =	simm.s32 $0x80;
	[dreg:$0x1f] =	wrdreg s25;
	s0 =	smax.u32 s0, $0x1  }
0x1e: {  	[smem:$0x7FD] =	sst s26;
	s26 =	simm.s32 $0x380;
	p1 =	sne.s32 s0, $0x1  }
.Ltmp0:
0x1f: {  	s5 =	sadd.s32 s5, s3;
	s3 =	sadd.s32 $0x3136080, s3;
	(pc) =	sbr.rel @!p1 .LBB2_1-.Ltmp0, $4  }
0x20: {  	s25 =	simm.s32 $0x400;
	s1 =	sadd.s32 s1, s4;
	[dreg:$0x1d] =	wrdreg s3  }
0x21: {  	s24 =	simm.s32 $0x480;
	s5 =	sadd.s32 $0x600, s5;
	[dreg:$0x1e] =	wrdreg s1  }
0x22: {  	s4 =	simm.s32 $0xD00;
	s3 =	simm.s32 $0x3;
	[dreg:$0x4] =	wrdreg s5  }
0x23: {  	s7 =	sadd.s32 $0xFFFFFFFF, s0;
	s5 =	simm.s32 $0x2;
	s0 =	rddreg [dreg:$0x4]  }
0x24: {  	s1 =	rddreg [dreg:$0x1f]  }
0x25: {  	[tilespmem:s2], [sflag:$0x3] =	stream.strided.gather [hbm4b:s0+s6], $0xD00, s1, s6, $0x38;
	[tilespmem:$0x1D00] =	vst v63  }
0x26: {  	_ =	swait.ge [sflag:s3], $0xD00  }
0x27: {  	[sflag:s3] =	ssyncset.done $0x0  }
0x28: {  	s1 =	rddreg [dreg:$0x3];
	[sflag:s3] =	ssyncadd.s32 $0xFFFFF300  }
0x29: {  	[tilespmem:s4], [sflag:$0x1] =	stream.indirect.gather [hbm4b:s1+s6], $0x20, s2, s6, $0xb8;
	[tilespmem:$0x1D00] =	vst v63  }
0x2a: {  	_ =	swait.ge [sflag:s31], $0x1000  }
0x2b: {  	s10 =	sld [smem:$0x7FD];
	_ =	sdelay $0x1  }
0x2c: {  	s1 =	rddreg [dreg:$0x5]  }
0x2d: {  	[sflag:s31] =	ssyncset.done $0x0;
	[smem:$0x7FC] =	sst s10  }
0x2e: {  	[sflag:s31] =	ssyncadd.s32 $0xFFFFF000;
	s10 =	sld [smem:$0x7FC]  }
0x2f: {  	[tilespmem:s4], [sflag:$0x2] =	stream.indirect.gather.add.f32 [hbm:s1], $0x20, s6, s6, $0xb8;
	[tilespmem:$0x1D00] =	vst v63  }
0x30: {  	s0 =	rddreg [dreg:$0x6]  }
0x31: {  	[tilespmem:s4], [sflag:$0x2] =	stream.indirect.gather.add.f32 [hbm:s0], $0x20, s10, s6, $0xb8;
	[tilespmem:$0x1D00] =	vst v63  }
0x32: {  	s1 =	rddreg [dreg:$0x7]  }
0x33: {  	[tilespmem:s4], [sflag:$0x2] =	stream.indirect.gather.add.f32 [hbm:s1], $0x20, s30, s6, $0xb8;
	[tilespmem:$0x1D00] =	vst v63  }
0x34: {  	s0 =	rddreg [dreg:$0x8]  }
0x35: {  	[tilespmem:s4], [sflag:$0x2] =	stream.indirect.gather.add.f32 [hbm:s0], $0x20, s8, s6, $0xb8;
	[tilespmem:$0x1D00] =	vst v63  }
0x36: {  	s10 =	rddreg [dreg:$0x9]  }
0x37: {  	[tilespmem:s4], [sflag:$0x2] =	stream.indirect.gather.add.f32 [hbm:s10], $0x20, s29, s6, $0xb8;
	[tilespmem:$0x1D00] =	vst v63  }
0x38: {  	s8 =	rddreg [dreg:$0xa]  }
0x39: {  	[tilespmem:s4], [sflag:$0x2] =	stream.indirect.gather.add.f32 [hbm:s8], $0x20, s28, s6, $0xb8;
	[tilespmem:$0x1D00] =	vst v63  }
0x3a: {  	s10 =	rddreg [dreg:$0xb]  }
0x3b: {  	[tilespmem:s4], [sflag:$0x2] =	stream.indirect.gather.add.f32 [hbm:s10], $0x20, s26, s6, $0xb8;
	[tilespmem:$0x1D00] =	vst v63  }
0x3c: {  	s8 =	rddreg [dreg:$0xc]  }
0x3d: {  	[tilespmem:s4], [sflag:$0x2] =	stream.indirect.gather.add.f32 [hbm:s8], $0x20, s25, s6, $0xb8;
	[tilespmem:$0x1D00] =	vst v63  }
0x3e: {  	s10 =	rddreg [dreg:$0xd]  }
0x3f: {  	[tilespmem:s4], [sflag:$0x2] =	stream.indirect.gather.add.f32 [hbm:s10], $0x20, s24, s6, $0xb8;
	[tilespmem:$0x1D00] =	vst v63  }
0x40: {  	s26 =	rddreg [dreg:$0xe]  }
0x41: {  	[tilespmem:s4], [sflag:$0x2] =	stream.indirect.gather.add.f32 [hbm:s26], $0x20, s9, s6, $0xb8;
	[tilespmem:$0x1D00] =	vst v63  }
0x42: {  	s23 =	simm.s32 $0x580;
	s8 =	rddreg [dreg:$0xf]  }
0x43: {  	[tilespmem:s4], [sflag:$0x2] =	stream.indirect.gather.add.f32 [hbm:s8], $0x20, s23, s6, $0xb8;
	[tilespmem:$0x1D00] =	vst v63  }
0x44: {  	s22 =	simm.s32 $0x600;
	s10 =	rddreg [dreg:$0x10]  }
0x45: {  	[tilespmem:s4], [sflag:$0x2] =	stream.indirect.gather.add.f32 [hbm:s10], $0x20, s22, s6, $0xb8;
	[tilespmem:$0x1D00] =	vst v63  }
0x46: {  	s21 =	simm.s32 $0x680;
	s24 =	rddreg [dreg:$0x11]  }
0x47: {  	[tilespmem:s4], [sflag:$0x2] =	stream.indirect.gather.add.f32 [hbm:s24], $0x20, s21, s6, $0xb8;
	[tilespmem:$0x1D00] =	vst v63  }
0x48: {  	s20 =	simm.s32 $0x700;
	s25 =	rddreg [dreg:$0x12]  }
0x49: {  	[tilespmem:s4], [sflag:$0x2] =	stream.indirect.gather.add.f32 [hbm:s25], $0x20, s20, s6, $0xb8;
	[tilespmem:$0x1D00] =	vst v63  }
0x4a: {  	s19 =	simm.s32 $0x780;
	s26 =	rddreg [dreg:$0x13]  }
0x4b: {  	[tilespmem:s4], [sflag:$0x2] =	stream.indirect.gather.add.f32 [hbm:s26], $0x20, s19, s6, $0xb8;
	[tilespmem:$0x1D00] =	vst v63  }
0x4c: {  	s18 =	simm.s32 $0x800;
	s8 =	rddreg [dreg:$0x14]  }
0x4d: {  	[tilespmem:s4], [sflag:$0x2] =	stream.indirect.gather.add.f32 [hbm:s8], $0x20, s18, s6, $0xb8;
	[tilespmem:$0x1D00] =	vst v63  }
0x4e: {  	s17 =	simm.s32 $0x880;
	s9 =	rddreg [dreg:$0x15]  }
0x4f: {  	[tilespmem:s4], [sflag:$0x2] =	stream.indirect.gather.add.f32 [hbm:s9], $0x20, s17, s6, $0xb8;
	[tilespmem:$0x1D00] =	vst v63  }
0x50: {  	s15 =	simm.s32 $0x900;
	s10 =	rddreg [dreg:$0x16]  }
0x51: {  	[tilespmem:s4], [sflag:$0x2] =	stream.indirect.gather.add.f32 [hbm:s10], $0x20, s15, s6, $0xb8;
	[tilespmem:$0x1D00] =	vst v63  }
0x52: {  	s13 =	simm.s32 $0x980;
	s17 =	rddreg [dreg:$0x17]  }
0x53: {  	[tilespmem:s4], [sflag:$0x2] =	stream.indirect.gather.add.f32 [hbm:s17], $0x20, s13, s6, $0xb8;
	[tilespmem:$0x1D00] =	vst v63  }
0x54: {  	s11 =	simm.s32 $0xA00;
	s18 =	rddreg [dreg:$0x18]  }
0x55: {  	[tilespmem:s4], [sflag:$0x2] =	stream.indirect.gather.add.f32 [hbm:s18], $0x20, s11, s6, $0xb8;
	[tilespmem:$0x1D00] =	vst v63  }
0x56: {  	s16 =	simm.s32 $0xA80;
	s19 =	rddreg [dreg:$0x19]  }
0x57: {  	[tilespmem:s4], [sflag:$0x2] =	stream.indirect.gather.add.f32 [hbm:s19], $0x20, s16, s6, $0xb8;
	[tilespmem:$0x1D00] =	vst v63  }
0x58: {  	s14 =	simm.s32 $0xB00;
	s20 =	rddreg [dreg:$0x1a]  }
0x59: {  	[tilespmem:s4], [sflag:$0x2] =	stream.indirect.gather.add.f32 [hbm:s20], $0x20, s14, s6, $0xb8;
	[tilespmem:$0x1D00] =	vst v63  }
0x5a: {  	s12 =	simm.s32 $0xB80;
	s21 =	rddreg [dreg:$0x1b]  }
0x5b: {  	[tilespmem:s4], [sflag:$0x2] =	stream.indirect.gather.add.f32 [hbm:s21], $0x20, s12, s6, $0xb8;
	[tilespmem:$0x1D00] =	vst v63  }
0x5c: {  	s22 =	rddreg [dreg:$0x1c];
	s24 =	simm.s32 $0xC00  }
0x5d: {  	[tilespmem:s4], [sflag:$0x2] =	stream.indirect.gather.add.f32 [hbm:s22], $0x20, s24, s6, $0xb8;
	[tilespmem:$0x1D00] =	vst v63  }
0x5e: {  	s23 =	rddreg [dreg:$0x1d];
	s25 =	simm.s32 $0xC80  }
0x5f: {  	[tilespmem:s4], [sflag:$0x2] =	stream.indirect.gather.add.f32 [hbm:s23], $0x20, s25, s6, $0xb8;
	[tilespmem:$0x1D00] =	vst v63  }
0x60: {  	_ =	swait.ge [sflag:s5], $0x1000  }
0x61: {  	[sflag:s5] =	ssyncset.done $0x0  }
0x62: {  	[sflag:s5] =	ssyncadd.s32 $0xFFFFF000  }
0x63: {  	_ =	swait.ge [sflag:s5], $0x1000  }
0x64: {  	[sflag:s5] =	ssyncset.done $0x0  }
0x65: {  	[sflag:s5] =	ssyncadd.s32 $0xFFFFF000  }
0x66: {  	_ =	swait.ge [sflag:s5], $0x1000  }
0x67: {  	[sflag:s5] =	ssyncset.done $0x0  }
0x68: {  	[sflag:s5] =	ssyncadd.s32 $0xFFFFF000  }
0x69: {  	_ =	swait.ge [sflag:s5], $0x1000  }
0x6a: {  	[sflag:s5] =	ssyncset.done $0x0  }
0x6b: {  	[sflag:s5] =	ssyncadd.s32 $0xFFFFF000  }
0x6c: {  	_ =	swait.ge [sflag:s5], $0x1000  }
0x6d: {  	[sflag:s5] =	ssyncset.done $0x0  }
0x6e: {  	[sflag:s5] =	ssyncadd.s32 $0xFFFFF000  }
0x6f: {  	_ =	swait.ge [sflag:s5], $0x1000  }
0x70: {  	[sflag:s5] =	ssyncset.done $0x0  }
0x71: {  	[sflag:s5] =	ssyncadd.s32 $0xFFFFF000  }
0x72: {  	_ =	swait.ge [sflag:s5], $0x1000  }
0x73: {  	[sflag:s5] =	ssyncset.done $0x0  }
0x74: {  	[sflag:s5] =	ssyncadd.s32 $0xFFFFF000  }
0x75: {  	_ =	swait.ge [sflag:s5], $0x1000  }
0x76: {  	[sflag:s5] =	ssyncset.done $0x0  }
0x77: {  	[sflag:s5] =	ssyncadd.s32 $0xFFFFF000  }
0x78: {  	_ =	swait.ge [sflag:s5], $0x1000  }
0x79: {  	[sflag:s5] =	ssyncset.done $0x0  }
0x7a: {  	[sflag:s5] =	ssyncadd.s32 $0xFFFFF000  }
0x7b: {  	_ =	swait.ge [sflag:s5], $0x1000  }
0x7c: {  	[sflag:s5] =	ssyncset.done $0x0  }
0x7d: {  	[sflag:s5] =	ssyncadd.s32 $0xFFFFF000  }
0x7e: {  	_ =	swait.ge [sflag:s5], $0x1000  }
0x7f: {  	[sflag:s5] =	ssyncset.done $0x0  }
0x80: {  	[sflag:s5] =	ssyncadd.s32 $0xFFFFF000  }
0x81: {  	_ =	swait.ge [sflag:s5], $0x1000  }
0x82: {  	[sflag:s5] =	ssyncset.done $0x0  }
0x83: {  	[sflag:s5] =	ssyncadd.s32 $0xFFFFF000  }
0x84: {  	_ =	swait.ge [sflag:s5], $0x1000  }
0x85: {  	[sflag:s5] =	ssyncset.done $0x0  }
0x86: {  	[sflag:s5] =	ssyncadd.s32 $0xFFFFF000  }
0x87: {  	_ =	swait.ge [sflag:s5], $0x1000  }
0x88: {  	[sflag:s5] =	ssyncset.done $0x0  }
0x89: {  	[sflag:s5] =	ssyncadd.s32 $0xFFFFF000  }
0x8a: {  	_ =	swait.ge [sflag:s5], $0x1000  }
0x8b: {  	[sflag:s5] =	ssyncset.done $0x0  }
0x8c: {  	[sflag:s5] =	ssyncadd.s32 $0xFFFFF000  }
0x8d: {  	_ =	swait.ge [sflag:s5], $0x1000  }
0x8e: {  	[sflag:s5] =	ssyncset.done $0x0  }
0x8f: {  	[sflag:s5] =	ssyncadd.s32 $0xFFFFF000  }
0x90: {  	_ =	swait.ge [sflag:s5], $0x1000  }
0x91: {  	[sflag:s5] =	ssyncset.done $0x0  }
0x92: {  	[sflag:s5] =	ssyncadd.s32 $0xFFFFF000  }
0x93: {  	_ =	swait.ge [sflag:s5], $0x1000  }
0x94: {  	[sflag:s5] =	ssyncset.done $0x0  }
0x95: {  	[sflag:s5] =	ssyncadd.s32 $0xFFFFF000  }
0x96: {  	_ =	swait.ge [sflag:s5], $0x1000  }
0x97: {  	[sflag:s5] =	ssyncset.done $0x0  }
0x98: {  	[sflag:s5] =	ssyncadd.s32 $0xFFFFF000  }
0x99: {  	_ =	swait.ge [sflag:s5], $0x1000  }
0x9a: {  	[sflag:s5] =	ssyncset.done $0x0  }
0x9b: {  	[sflag:s5] =	ssyncadd.s32 $0xFFFFF000  }
0x9c: {  	_ =	swait.ge [sflag:s5], $0x1000  }
0x9d: {  	[sflag:s5] =	ssyncset.done $0x0  }
0x9e: {  	[sflag:s5] =	ssyncadd.s32 $0xFFFFF000  }
0x9f: {  	_ =	swait.ge [sflag:s5], $0x1000  }
0xa0: {  	p1 =	sne.s32 s7, $0x1;
	p0 =	por $0x1, $0x1;
	[sflag:s5] =	ssyncset.done $0x0  }
0xa1: {  	s1 =	sadd.s32 $0xFFFFFFFF, s7;
	s30 =	simm.s32 $0x280;
	[sflag:s5] =	ssyncadd.s32 $0xFFFFF000  }
0xa2: {  	s29 =	simm.s32 $0x300;
	s28 =	simm.s32 $0x380;
	_ =	swait.ge [sflag:s5], $0x1000  }
0xa3: {  	s10 =	simm.s32 $0x180;
	s15 =	simm.s32 $0x900;
	[sflag:s5] =	ssyncset.done $0x0  }
0xa4: {  	s17 =	simm.s32 $0x880;
	s13 =	simm.s32 $0x980;
	[sflag:s5] =	ssyncadd.s32 $0xFFFFF000  }
0xa5: {  	s11 =	simm.s32 $0x200;
	s18 =	simm.s32 $0x800;
	_ =	swait.ge [sflag:s5], $0x1000  }
0xa6: {  	s19 =	simm.s32 $0x780;
	s16 =	simm.s32 $0xA80;
	[sflag:s5] =	ssyncset.done $0x0  }
0xa7: {  	s20 =	simm.s32 $0x700;
	s14 =	simm.s32 $0xB00;
	[sflag:s5] =	ssyncadd.s32 $0xFFFFF000  }
0xa8: {  	s21 =	simm.s32 $0x680;
	s12 =	simm.s32 $0xB80;
	_ =	swait.ge [sflag:s5], $0x1000  }
.Ltmp1:
0xa9: {  	s24 =	simm.s32 $0x500;
	[sflag:s5] =	ssyncset.done $0x0;
	(pc) =	sbr.rel @!p1 .LBB2_7-.Ltmp1, $4  }
0xaa: {  	s22 =	simm.s32 $0x600;
	s26 =	rddreg [dreg:$0x1e];
	[sflag:s5] =	ssyncadd.s32 $0xFFFFF000  }
0xab: {  	[hbm4b:s26+s2] =	stream.linear.scatter [tilespmem:s4], [sflag:$0x3], $0x1000, $0x38;
	[tilespmem:$0x1D00] =	vst v63  }
0xac: {  	s25 =	simm.s32 $0x480;
	s23 =	simm.s32 $0x580;
	_ =	swait.ge [sflag:s3], $0x1000  }
0xad: {  	s26 =	simm.s32 $0x400;
	s0 =	rddreg [dreg:$0x4];
	[sflag:s3] =	ssyncset.done $0x0  }
0xae: {  	s9 =	simm.s32 $0xC00  }
.LBB2_4:
0xaf: {  	s7 =	rddreg [dreg:$0x1f];
	[sflag:s3] =	ssyncadd.s32 $0xFFFFF000  }
0xb0: {  	[tilespmem:s2], [sflag:$0x3] =	stream.strided.gather [hbm4b:s0+s6], $0xD00, s7, s6, $0x38;
	[tilespmem:$0x1D00] =	vst v63  }
0xb1: {  	_ =	swait.ge [sflag:s3], $0xD00  }
0xb2: {  	[sflag:s3] =	ssyncset.done $0x0  }
0xb3: {  	s7 =	rddreg [dreg:$0x3];
	[sflag:s3] =	ssyncadd.s32 $0xFFFFF300  }
0xb4: {  	[tilespmem:s4], [sflag:$0x1] =	stream.indirect.gather [hbm4b:s7+s6], $0x20, s2, s6, $0xb8;
	[tilespmem:$0x1D00] =	vst v63  }
0xb5: {  	_ =	swait.ge [sflag:s31], $0x1000  }
0xb6: {  	s0 =	rddreg [dreg:$0x5];
	[sflag:s31] =	ssyncset.done $0x0  }
0xb7: {  	s7 =	sld [smem:$0x7FD];
	[sflag:s31] =	ssyncadd.s32 $0xFFFFF000  }
0xb8: {  	[tilespmem:s4], [sflag:$0x2] =	stream.indirect.gather.add.f32 [hbm:s0], $0x20, s6, s6, $0xb8;
	[tilespmem:$0x1D00] =	vst v63  }
0xb9: {  	s8 =	rddreg [dreg:$0x6]  }
0xba: {  	[tilespmem:s4], [sflag:$0x2] =	stream.indirect.gather.add.f32 [hbm:s8], $0x20, s7, s6, $0xb8;
	[tilespmem:$0x1D00] =	vst v63  }
0xbb: {  	s0 =	rddreg [dreg:$0x7]  }
0xbc: {  	[tilespmem:s4], [sflag:$0x2] =	stream.indirect.gather.add.f32 [hbm:s0], $0x20, s10, s6, $0xb8;
	[tilespmem:$0x1D00] =	vst v63  }
0xbd: {  	s7 =	rddreg [dreg:$0x8]  }
0xbe: {  	[tilespmem:s4], [sflag:$0x2] =	stream.indirect.gather.add.f32 [hbm:s7], $0x20, s11, s6, $0xb8;
	[tilespmem:$0x1D00] =	vst v63  }
0xbf: {  	s8 =	rddreg [dreg:$0x9]  }
0xc0: {  	[tilespmem:s4], [sflag:$0x2] =	stream.indirect.gather.add.f32 [hbm:s8], $0x20, s30, s6, $0xb8;
	[tilespmem:$0x1D00] =	vst v63  }
0xc1: {  	s7 =	rddreg [dreg:$0xa]  }
0xc2: {  	[tilespmem:s4], [sflag:$0x2] =	stream.indirect.gather.add.f32 [hbm:s7], $0x20, s29, s6, $0xb8;
	[tilespmem:$0x1D00] =	vst v63  }
0xc3: {  	s8 =	rddreg [dreg:$0xb]  }
0xc4: {  	[tilespmem:s4], [sflag:$0x2] =	stream.indirect.gather.add.f32 [hbm:s8], $0x20, s28, s6, $0xb8;
	[tilespmem:$0x1D00] =	vst v63  }
0xc5: {  	s7 =	rddreg [dreg:$0xc]  }
0xc6: {  	[tilespmem:s4], [sflag:$0x2] =	stream.indirect.gather.add.f32 [hbm:s7], $0x20, s26, s6, $0xb8;
	[tilespmem:$0x1D00] =	vst v63  }
0xc7: {  	s8 =	rddreg [dreg:$0xd]  }
0xc8: {  	[tilespmem:s4], [sflag:$0x2] =	stream.indirect.gather.add.f32 [hbm:s8], $0x20, s25, s6, $0xb8;
	[tilespmem:$0x1D00] =	vst v63  }
0xc9: {  	s7 =	rddreg [dreg:$0xe]  }
0xca: {  	[tilespmem:s4], [sflag:$0x2] =	stream.indirect.gather.add.f32 [hbm:s7], $0x20, s24, s6, $0xb8;
	[tilespmem:$0x1D00] =	vst v63  }
0xcb: {  	s8 =	rddreg [dreg:$0xf]  }
0xcc: {  	[tilespmem:s4], [sflag:$0x2] =	stream.indirect.gather.add.f32 [hbm:s8], $0x20, s23, s6, $0xb8;
	[tilespmem:$0x1D00] =	vst v63  }
0xcd: {  	s7 =	rddreg [dreg:$0x10]  }
0xce: {  	[tilespmem:s4], [sflag:$0x2] =	stream.indirect.gather.add.f32 [hbm:s7], $0x20, s22, s6, $0xb8;
	[tilespmem:$0x1D00] =	vst v63  }
0xcf: {  	s8 =	rddreg [dreg:$0x11]  }
0xd0: {  	[tilespmem:s4], [sflag:$0x2] =	stream.indirect.gather.add.f32 [hbm:s8], $0x20, s21, s6, $0xb8;
	[tilespmem:$0x1D00] =	vst v63  }
0xd1: {  	s7 =	rddreg [dreg:$0x12]  }
0xd2: {  	[tilespmem:s4], [sflag:$0x2] =	stream.indirect.gather.add.f32 [hbm:s7], $0x20, s20, s6, $0xb8;
	[tilespmem:$0x1D00] =	vst v63  }
0xd3: {  	s8 =	rddreg [dreg:$0x13]  }
0xd4: {  	[tilespmem:s4], [sflag:$0x2] =	stream.indirect.gather.add.f32 [hbm:s8], $0x20, s19, s6, $0xb8;
	[tilespmem:$0x1D00] =	vst v63  }
0xd5: {  	s7 =	rddreg [dreg:$0x14]  }
0xd6: {  	[tilespmem:s4], [sflag:$0x2] =	stream.indirect.gather.add.f32 [hbm:s7], $0x20, s18, s6, $0xb8;
	[tilespmem:$0x1D00] =	vst v63  }
0xd7: {  	s8 =	rddreg [dreg:$0x15]  }
0xd8: {  	[tilespmem:s4], [sflag:$0x2] =	stream.indirect.gather.add.f32 [hbm:s8], $0x20, s17, s6, $0xb8;
	[tilespmem:$0x1D00] =	vst v63  }
0xd9: {  	s7 =	rddreg [dreg:$0x16]  }
0xda: {  	[tilespmem:s4], [sflag:$0x2] =	stream.indirect.gather.add.f32 [hbm:s7], $0x20, s15, s6, $0xb8;
	[tilespmem:$0x1D00] =	vst v63  }
0xdb: {  	s8 =	rddreg [dreg:$0x17]  }
0xdc: {  	[tilespmem:s4], [sflag:$0x2] =	stream.indirect.gather.add.f32 [hbm:s8], $0x20, s13, s6, $0xb8;
	[tilespmem:$0x1D00] =	vst v63  }
0xdd: {  	s7 =	rddreg [dreg:$0x18];
	s8 =	simm.s32 $0xA00  }
0xde: {  	[tilespmem:s4], [sflag:$0x2] =	stream.indirect.gather.add.f32 [hbm:s7], $0x20, s8, s6, $0xb8;
	[tilespmem:$0x1D00] =	vst v63  }
0xdf: {  	s0 =	rddreg [dreg:$0x19]  }
0xe0: {  	[tilespmem:s4], [sflag:$0x2] =	stream.indirect.gather.add.f32 [hbm:s0], $0x20, s16, s6, $0xb8;
	[tilespmem:$0x1D00] =	vst v63  }
0xe1: {  	s8 =	rddreg [dreg:$0x1a]  }
0xe2: {  	[tilespmem:s4], [sflag:$0x2] =	stream.indirect.gather.add.f32 [hbm:s8], $0x20, s14, s6, $0xb8;
	[tilespmem:$0x1D00] =	vst v63  }
0xe3: {  	s0 =	rddreg [dreg:$0x1b]  }
0xe4: {  	[tilespmem:s4], [sflag:$0x2] =	stream.indirect.gather.add.f32 [hbm:s0], $0x20, s12, s6, $0xb8;
	[tilespmem:$0x1D00] =	vst v63  }
0xe5: {  	s8 =	rddreg [dreg:$0x1c]  }
0xe6: {  	[tilespmem:s4], [sflag:$0x2] =	stream.indirect.gather.add.f32 [hbm:s8], $0x20, s9, s6, $0xb8;
	[tilespmem:$0x1D00] =	vst v63  }
0xe7: {  	s0 =	rddreg [dreg:$0x1d];
	s8 =	simm.s32 $0xC80  }
0xe8: {  	[tilespmem:s4], [sflag:$0x2] =	stream.indirect.gather.add.f32 [hbm:s0], $0x20, s8, s6, $0xb8;
	[tilespmem:$0x1D00] =	vst v63  }
0xe9: {  	_ =	swait.ge [sflag:s5], $0x1000  }
0xea: {  	[sflag:s5] =	ssyncset.done $0x0  }
0xeb: {  	[sflag:s5] =	ssyncadd.s32 $0xFFFFF000  }
0xec: {  	_ =	swait.ge [sflag:s5], $0x1000  }
0xed: {  	[sflag:s5] =	ssyncset.done $0x0  }
0xee: {  	[sflag:s5] =	ssyncadd.s32 $0xFFFFF000  }
0xef: {  	_ =	swait.ge [sflag:s5], $0x1000  }
0xf0: {  	[sflag:s5] =	ssyncset.done $0x0  }
0xf1: {  	[sflag:s5] =	ssyncadd.s32 $0xFFFFF000  }
0xf2: {  	_ =	swait.ge [sflag:s5], $0x1000  }
0xf3: {  	[sflag:s5] =	ssyncset.done $0x0  }
0xf4: {  	[sflag:s5] =	ssyncadd.s32 $0xFFFFF000  }
0xf5: {  	_ =	swait.ge [sflag:s5], $0x1000  }
0xf6: {  	[sflag:s5] =	ssyncset.done $0x0  }
0xf7: {  	[sflag:s5] =	ssyncadd.s32 $0xFFFFF000  }
0xf8: {  	_ =	swait.ge [sflag:s5], $0x1000  }
0xf9: {  	[sflag:s5] =	ssyncset.done $0x0  }
0xfa: {  	[sflag:s5] =	ssyncadd.s32 $0xFFFFF000  }
0xfb: {  	_ =	swait.ge [sflag:s5], $0x1000  }
0xfc: {  	[sflag:s5] =	ssyncset.done $0x0  }
0xfd: {  	[sflag:s5] =	ssyncadd.s32 $0xFFFFF000  }
0xfe: {  	_ =	swait.ge [sflag:s5], $0x1000  }
0xff: {  	[sflag:s5] =	ssyncset.done $0x0  }
0x100: {  	[sflag:s5] =	ssyncadd.s32 $0xFFFFF000  }
0x101: {  	_ =	swait.ge [sflag:s5], $0x1000  }
0x102: {  	[sflag:s5] =	ssyncset.done $0x0  }
0x103: {  	[sflag:s5] =	ssyncadd.s32 $0xFFFFF000  }
0x104: {  	_ =	swait.ge [sflag:s5], $0x1000  }
0x105: {  	[sflag:s5] =	ssyncset.done $0x0  }
0x106: {  	[sflag:s5] =	ssyncadd.s32 $0xFFFFF000  }
0x107: {  	_ =	swait.ge [sflag:s5], $0x1000  }
0x108: {  	[sflag:s5] =	ssyncset.done $0x0  }
0x109: {  	[sflag:s5] =	ssyncadd.s32 $0xFFFFF000  }
0x10a: {  	_ =	swait.ge [sflag:s5], $0x1000  }
0x10b: {  	[sflag:s5] =	ssyncset.done $0x0  }
0x10c: {  	[sflag:s5] =	ssyncadd.s32 $0xFFFFF000  }
0x10d: {  	_ =	swait.ge [sflag:s5], $0x1000  }
0x10e: {  	[sflag:s5] =	ssyncset.done $0x0  }
0x10f: {  	[sflag:s5] =	ssyncadd.s32 $0xFFFFF000  }
0x110: {  	_ =	swait.ge [sflag:s5], $0x1000  }
0x111: {  	[sflag:s5] =	ssyncset.done $0x0  }
0x112: {  	[sflag:s5] =	ssyncadd.s32 $0xFFFFF000  }
0x113: {  	_ =	swait.ge [sflag:s5], $0x1000  }
0x114: {  	[sflag:s5] =	ssyncset.done $0x0  }
0x115: {  	[sflag:s5] =	ssyncadd.s32 $0xFFFFF000  }
0x116: {  	_ =	swait.ge [sflag:s5], $0x1000  }
0x117: {  	[sflag:s5] =	ssyncset.done $0x0  }
0x118: {  	[sflag:s5] =	ssyncadd.s32 $0xFFFFF000  }
0x119: {  	_ =	swait.ge [sflag:s5], $0x1000  }
0x11a: {  	[sflag:s5] =	ssyncset.done $0x0  }
0x11b: {  	[sflag:s5] =	ssyncadd.s32 $0xFFFFF000  }
0x11c: {  	_ =	swait.ge [sflag:s5], $0x1000  }
0x11d: {  	[sflag:s5] =	ssyncset.done $0x0  }
0x11e: {  	[sflag:s5] =	ssyncadd.s32 $0xFFFFF000  }
0x11f: {  	_ =	swait.ge [sflag:s5], $0x1000  }
0x120: {  	[sflag:s5] =	ssyncset.done $0x0  }
0x121: {  	[sflag:s5] =	ssyncadd.s32 $0xFFFFF000  }
0x122: {  	_ =	swait.ge [sflag:s5], $0x1000  }
0x123: {  	[sflag:s5] =	ssyncset.done $0x0  }
0x124: {  	[sflag:s5] =	ssyncadd.s32 $0xFFFFF000  }
0x125: {  	_ =	swait.ge [sflag:s5], $0x1000  }
0x126: {  	[sflag:s5] =	ssyncset.done $0x0  }
0x127: {  	[sflag:s5] =	ssyncadd.s32 $0xFFFFF000  }
0x128: {  	_ =	swait.ge [sflag:s5], $0x1000  }
0x129: {  	[sflag:s5] =	ssyncset.done $0x0  }
0x12a: {  	[sflag:s5] =	ssyncadd.s32 $0xFFFFF000  }
0x12b: {  	_ =	swait.ge [sflag:s5], $0x1000  }
0x12c: {  	[sflag:s5] =	ssyncset.done $0x0  }
0x12d: {  	[sflag:s5] =	ssyncadd.s32 $0xFFFFF000  }
0x12e: {  	_ =	swait.ge [sflag:s5], $0x1000  }
0x12f: {  	[sflag:s5] =	ssyncset.done $0x0  }
0x130: {  	[sflag:s5] =	ssyncadd.s32 $0xFFFFF000  }
0x131: {  	p1 =	sne.s32 s1, $0x1;
	_ =	swait.ge [sflag:s5], $0x1000  }
.Ltmp2:
0x132: {  	[sflag:s5] =	ssyncset.done $0x0;
	(pc) =	sbr.rel @p1 .LBB2_4-.Ltmp2, $4  }
0x133: {  	s8 =	rddreg [dreg:$0x1e];
	[sflag:s5] =	ssyncadd.s32 $0xFFFFF000  }
0x134: {  	[hbm4b:s8+s2] =	stream.linear.scatter [tilespmem:s4], [sflag:$0x3], $0x1000, $0x38;
	[tilespmem:$0x1D00] =	vst v63  }
0x135: {  	_ =	swait.ge [sflag:s3], $0x1000  }
0x136: {  	s1 =	sadd.s32 $0xFFFFFFFF, s1;
	s0 =	rddreg [dreg:$0x4];
	[sflag:s3] =	ssyncset.done $0x0  }
0x137: {  	s10 =	simm.s32 $0x180  }
0x138: {  	s8 =	simm.s32 $0x200;
	s30 =	simm.s32 $0x280;
	s29 =	simm.s32 $0x300  }
0x139: {  	s28 =	simm.s32 $0x380;
	s26 =	simm.s32 $0x400;
	s25 =	simm.s32 $0x480  }
0x13a: {  	s24 =	simm.s32 $0x500;
	s23 =	simm.s32 $0x580;
	s22 =	simm.s32 $0x600  }
0x13b: {  	s21 =	simm.s32 $0x680;
	s20 =	simm.s32 $0x700;
	s19 =	simm.s32 $0x780  }
0x13c: {  	s18 =	simm.s32 $0x800;
	s17 =	simm.s32 $0x880;
	s16 =	simm.s32 $0xA80  }
0x13d: {  	s15 =	simm.s32 $0x900;
	s14 =	simm.s32 $0xB00;
	s13 =	simm.s32 $0x980  }
0x13e: {  	s12 =	simm.s32 $0xB80;
	s11 =	simm.s32 $0xA00;
	s9 =	simm.s32 $0xC00  }
.LBB2_6:
0x13f: {  	s1 =	rddreg [dreg:$0x1f];
	[sflag:s3] =	ssyncadd.s32 @p0 $0xFFFFF000  }
0x140: {  	[tilespmem:s2], [sflag:$0x3] =	stream.strided.gather [hbm4b:s0+s6], $0xD00, s1, s6, $0x38;
	[tilespmem:$0x1D00] =	vst v63  }
0x141: {  	_ =	swait.ge [sflag:s3], $0xD00  }
0x142: {  	[sflag:s3] =	ssyncset.done $0x0  }
0x143: {  	s7 =	rddreg [dreg:$0x3];
	[sflag:s3] =	ssyncadd.s32 $0xFFFFF300  }
0x144: {  	[tilespmem:s4], [sflag:$0x1] =	stream.indirect.gather [hbm4b:s7+s6], $0x20, s2, s6, $0xb8;
	[tilespmem:$0x1D00] =	vst v63  }
0x145: {  	_ =	swait.ge [sflag:s31], $0x1000  }
0x146: {  	s0 =	rddreg [dreg:$0x5];
	[sflag:s31] =	ssyncset.done $0x0  }
0x147: {  	s1 =	sld [smem:$0x7FD];
	[sflag:s31] =	ssyncadd.s32 $0xFFFFF000  }
0x148: {  	[tilespmem:s4], [sflag:$0x2] =	stream.indirect.gather.add.f32 [hbm:s0], $0x20, s6, s6, $0xb8;
	[tilespmem:$0x1D00] =	vst v63  }
0x149: {  	s7 =	rddreg [dreg:$0x6]  }
0x14a: {  	[tilespmem:s4], [sflag:$0x2] =	stream.indirect.gather.add.f32 [hbm:s7], $0x20, s1, s6, $0xb8;
	[tilespmem:$0x1D00] =	vst v63  }
0x14b: {  	s31 =	rddreg [dreg:$0x7]  }
0x14c: {  	[tilespmem:s4], [sflag:$0x2] =	stream.indirect.gather.add.f32 [hbm:s31], $0x20, s10, s6, $0xb8;
	[tilespmem:$0x1D00] =	vst v63  }
0x14d: {  	s7 =	rddreg [dreg:$0x8]  }
0x14e: {  	[tilespmem:s4], [sflag:$0x2] =	stream.indirect.gather.add.f32 [hbm:s7], $0x20, s8, s6, $0xb8;
	[tilespmem:$0x1D00] =	vst v63  }
0x14f: {  	s10 =	rddreg [dreg:$0x9]  }
0x150: {  	[tilespmem:s4], [sflag:$0x2] =	stream.indirect.gather.add.f32 [hbm:s10], $0x20, s30, s6, $0xb8;
	[tilespmem:$0x1D00] =	vst v63  }
0x151: {  	s31 =	rddreg [dreg:$0xa]  }
0x152: {  	[tilespmem:s4], [sflag:$0x2] =	stream.indirect.gather.add.f32 [hbm:s31], $0x20, s29, s6, $0xb8;
	[tilespmem:$0x1D00] =	vst v63  }
0x153: {  	s7 =	rddreg [dreg:$0xb]  }
0x154: {  	[tilespmem:s4], [sflag:$0x2] =	stream.indirect.gather.add.f32 [hbm:s7], $0x20, s28, s6, $0xb8;
	[tilespmem:$0x1D00] =	vst v63  }
0x155: {  	s8 =	rddreg [dreg:$0xc]  }
0x156: {  	[tilespmem:s4], [sflag:$0x2] =	stream.indirect.gather.add.f32 [hbm:s8], $0x20, s26, s6, $0xb8;
	[tilespmem:$0x1D00] =	vst v63  }
0x157: {  	s10 =	rddreg [dreg:$0xd]  }
0x158: {  	[tilespmem:s4], [sflag:$0x2] =	stream.indirect.gather.add.f32 [hbm:s10], $0x20, s25, s6, $0xb8;
	[tilespmem:$0x1D00] =	vst v63  }
0x159: {  	s28 =	rddreg [dreg:$0xe]  }
0x15a: {  	[tilespmem:s4], [sflag:$0x2] =	stream.indirect.gather.add.f32 [hbm:s28], $0x20, s24, s6, $0xb8;
	[tilespmem:$0x1D00] =	vst v63  }
0x15b: {  	s29 =	rddreg [dreg:$0xf]  }
0x15c: {  	[tilespmem:s4], [sflag:$0x2] =	stream.indirect.gather.add.f32 [hbm:s29], $0x20, s23, s6, $0xb8;
	[tilespmem:$0x1D00] =	vst v63  }
0x15d: {  	s30 =	rddreg [dreg:$0x10]  }
0x15e: {  	[tilespmem:s4], [sflag:$0x2] =	stream.indirect.gather.add.f32 [hbm:s30], $0x20, s22, s6, $0xb8;
	[tilespmem:$0x1D00] =	vst v63  }
0x15f: {  	s31 =	rddreg [dreg:$0x11]  }
0x160: {  	[tilespmem:s4], [sflag:$0x2] =	stream.indirect.gather.add.f32 [hbm:s31], $0x20, s21, s6, $0xb8;
	[tilespmem:$0x1D00] =	vst v63  }
0x161: {  	s7 =	rddreg [dreg:$0x12]  }
0x162: {  	[tilespmem:s4], [sflag:$0x2] =	stream.indirect.gather.add.f32 [hbm:s7], $0x20, s20, s6, $0xb8;
	[tilespmem:$0x1D00] =	vst v63  }
0x163: {  	s8 =	rddreg [dreg:$0x13]  }
0x164: {  	[tilespmem:s4], [sflag:$0x2] =	stream.indirect.gather.add.f32 [hbm:s8], $0x20, s19, s6, $0xb8;
	[tilespmem:$0x1D00] =	vst v63  }
0x165: {  	s10 =	rddreg [dreg:$0x14]  }
0x166: {  	[tilespmem:s4], [sflag:$0x2] =	stream.indirect.gather.add.f32 [hbm:s10], $0x20, s18, s6, $0xb8;
	[tilespmem:$0x1D00] =	vst v63  }
0x167: {  	s19 =	rddreg [dreg:$0x15]  }
0x168: {  	[tilespmem:s4], [sflag:$0x2] =	stream.indirect.gather.add.f32 [hbm:s19], $0x20, s17, s6, $0xb8;
	[tilespmem:$0x1D00] =	vst v63  }
0x169: {  	s20 =	rddreg [dreg:$0x16]  }
0x16a: {  	[tilespmem:s4], [sflag:$0x2] =	stream.indirect.gather.add.f32 [hbm:s20], $0x20, s15, s6, $0xb8;
	[tilespmem:$0x1D00] =	vst v63  }
0x16b: {  	s21 =	rddreg [dreg:$0x17]  }
0x16c: {  	[tilespmem:s4], [sflag:$0x2] =	stream.indirect.gather.add.f32 [hbm:s21], $0x20, s13, s6, $0xb8;
	[tilespmem:$0x1D00] =	vst v63  }
0x16d: {  	s22 =	rddreg [dreg:$0x18]  }
0x16e: {  	[tilespmem:s4], [sflag:$0x2] =	stream.indirect.gather.add.f32 [hbm:s22], $0x20, s11, s6, $0xb8;
	[tilespmem:$0x1D00] =	vst v63  }
0x16f: {  	s23 =	rddreg [dreg:$0x19]  }
0x170: {  	[tilespmem:s4], [sflag:$0x2] =	stream.indirect.gather.add.f32 [hbm:s23], $0x20, s16, s6, $0xb8;
	[tilespmem:$0x1D00] =	vst v63  }
0x171: {  	s24 =	rddreg [dreg:$0x1a]  }
0x172: {  	[tilespmem:s4], [sflag:$0x2] =	stream.indirect.gather.add.f32 [hbm:s24], $0x20, s14, s6, $0xb8;
	[tilespmem:$0x1D00] =	vst v63  }
0x173: {  	s25 =	rddreg [dreg:$0x1b]  }
0x174: {  	[tilespmem:s4], [sflag:$0x2] =	stream.indirect.gather.add.f32 [hbm:s25], $0x20, s12, s6, $0xb8;
	[tilespmem:$0x1D00] =	vst v63  }
0x175: {  	s26 =	rddreg [dreg:$0x1c]  }
0x176: {  	[tilespmem:s4], [sflag:$0x2] =	stream.indirect.gather.add.f32 [hbm:s26], $0x20, s9, s6, $0xb8;
	[tilespmem:$0x1D00] =	vst v63  }
0x177: {  	s28 =	rddreg [dreg:$0x1d];
	s29 =	simm.s32 $0xC80  }
0x178: {  	[tilespmem:s4], [sflag:$0x2] =	stream.indirect.gather.add.f32 [hbm:s28], $0x20, s29, s6, $0xb8;
	[tilespmem:$0x1D00] =	vst v63  }
0x179: {  	_ =	swait.ge [sflag:s5], $0x1000  }
0x17a: {  	[sflag:s5] =	ssyncset.done $0x0  }
0x17b: {  	[sflag:s5] =	ssyncadd.s32 $0xFFFFF000  }
0x17c: {  	_ =	swait.ge [sflag:s5], $0x1000  }
0x17d: {  	[sflag:s5] =	ssyncset.done $0x0  }
0x17e: {  	[sflag:s5] =	ssyncadd.s32 $0xFFFFF000  }
0x17f: {  	_ =	swait.ge [sflag:s5], $0x1000  }
0x180: {  	[sflag:s5] =	ssyncset.done $0x0  }
0x181: {  	[sflag:s5] =	ssyncadd.s32 $0xFFFFF000  }
0x182: {  	_ =	swait.ge [sflag:s5], $0x1000  }
0x183: {  	[sflag:s5] =	ssyncset.done $0x0  }
0x184: {  	[sflag:s5] =	ssyncadd.s32 $0xFFFFF000  }
0x185: {  	_ =	swait.ge [sflag:s5], $0x1000  }
0x186: {  	[sflag:s5] =	ssyncset.done $0x0  }
0x187: {  	[sflag:s5] =	ssyncadd.s32 $0xFFFFF000  }
0x188: {  	_ =	swait.ge [sflag:s5], $0x1000  }
0x189: {  	[sflag:s5] =	ssyncset.done $0x0  }
0x18a: {  	[sflag:s5] =	ssyncadd.s32 $0xFFFFF000  }
0x18b: {  	_ =	swait.ge [sflag:s5], $0x1000  }
0x18c: {  	[sflag:s5] =	ssyncset.done $0x0  }
0x18d: {  	[sflag:s5] =	ssyncadd.s32 $0xFFFFF000  }
0x18e: {  	_ =	swait.ge [sflag:s5], $0x1000  }
0x18f: {  	[sflag:s5] =	ssyncset.done $0x0  }
0x190: {  	[sflag:s5] =	ssyncadd.s32 $0xFFFFF000  }
0x191: {  	_ =	swait.ge [sflag:s5], $0x1000  }
0x192: {  	[sflag:s5] =	ssyncset.done $0x0  }
0x193: {  	[sflag:s5] =	ssyncadd.s32 $0xFFFFF000  }
0x194: {  	_ =	swait.ge [sflag:s5], $0x1000  }
0x195: {  	[sflag:s5] =	ssyncset.done $0x0  }
0x196: {  	[sflag:s5] =	ssyncadd.s32 $0xFFFFF000  }
0x197: {  	_ =	swait.ge [sflag:s5], $0x1000  }
0x198: {  	[sflag:s5] =	ssyncset.done $0x0  }
0x199: {  	[sflag:s5] =	ssyncadd.s32 $0xFFFFF000  }
0x19a: {  	_ =	swait.ge [sflag:s5], $0x1000  }
0x19b: {  	[sflag:s5] =	ssyncset.done $0x0  }
0x19c: {  	[sflag:s5] =	ssyncadd.s32 $0xFFFFF000  }
0x19d: {  	_ =	swait.ge [sflag:s5], $0x1000  }
0x19e: {  	[sflag:s5] =	ssyncset.done $0x0  }
0x19f: {  	[sflag:s5] =	ssyncadd.s32 $0xFFFFF000  }
0x1a0: {  	_ =	swait.ge [sflag:s5], $0x1000  }
0x1a1: {  	[sflag:s5] =	ssyncset.done $0x0  }
0x1a2: {  	[sflag:s5] =	ssyncadd.s32 $0xFFFFF000  }
0x1a3: {  	_ =	swait.ge [sflag:s5], $0x1000  }
0x1a4: {  	[sflag:s5] =	ssyncset.done $0x0  }
0x1a5: {  	[sflag:s5] =	ssyncadd.s32 $0xFFFFF000  }
0x1a6: {  	_ =	swait.ge [sflag:s5], $0x1000  }
0x1a7: {  	[sflag:s5] =	ssyncset.done $0x0  }
0x1a8: {  	[sflag:s5] =	ssyncadd.s32 $0xFFFFF000  }
0x1a9: {  	_ =	swait.ge [sflag:s5], $0x1000  }
0x1aa: {  	[sflag:s5] =	ssyncset.done $0x0  }
0x1ab: {  	[sflag:s5] =	ssyncadd.s32 $0xFFFFF000  }
0x1ac: {  	_ =	swait.ge [sflag:s5], $0x1000  }
0x1ad: {  	[sflag:s5] =	ssyncset.done $0x0  }
0x1ae: {  	[sflag:s5] =	ssyncadd.s32 $0xFFFFF000  }
0x1af: {  	_ =	swait.ge [sflag:s5], $0x1000  }
0x1b0: {  	[sflag:s5] =	ssyncset.done $0x0  }
0x1b1: {  	[sflag:s5] =	ssyncadd.s32 $0xFFFFF000  }
0x1b2: {  	_ =	swait.ge [sflag:s5], $0x1000  }
0x1b3: {  	[sflag:s5] =	ssyncset.done $0x0  }
0x1b4: {  	[sflag:s5] =	ssyncadd.s32 $0xFFFFF000  }
0x1b5: {  	_ =	swait.ge [sflag:s5], $0x1000  }
0x1b6: {  	[sflag:s5] =	ssyncset.done $0x0  }
0x1b7: {  	[sflag:s5] =	ssyncadd.s32 $0xFFFFF000  }
0x1b8: {  	_ =	swait.ge [sflag:s5], $0x1000  }
0x1b9: {  	[sflag:s5] =	ssyncset.done $0x0  }
0x1ba: {  	[sflag:s5] =	ssyncadd.s32 $0xFFFFF000  }
0x1bb: {  	_ =	swait.ge [sflag:s5], $0x1000  }
0x1bc: {  	[sflag:s5] =	ssyncset.done $0x0  }
0x1bd: {  	[sflag:s5] =	ssyncadd.s32 $0xFFFFF000  }
0x1be: {  	_ =	swait.ge [sflag:s5], $0x1000  }
0x1bf: {  	[sflag:s5] =	ssyncset.done $0x0  }
0x1c0: {  	[sflag:s5] =	ssyncadd.s32 $0xFFFFF000  }
0x1c1: {  	_ =	swait.ge [sflag:s5], $0x1000  }
0x1c2: {  	[sflag:s5] =	ssyncset.done $0x0  }
0x1c3: {  	s30 =	rddreg [dreg:$0x1e];
	[sflag:s5] =	ssyncadd.s32 $0xFFFFF000  }
0x1c4: {  	[hbm4b:s30+s2] =	stream.linear.scatter [tilespmem:s4], [sflag:$0x3], $0x1000, $0x38;
	[tilespmem:$0x1D00] =	vst v63  }
0x1c5: {  	_ =	swait.ge [sflag:s3], $0x1000  }
0x1c6: {  	[sflag:s3] =	ssyncset.done $0x0  }
0x1c7: {  	[sflag:s3] =	ssyncadd.s32 $0xFFFFF000  }
0x1c8: {  	_ =	sfence.sel $0x180000  }
0x1c9: {  	[bflag:$0x0] =	sbarrier.arrive $0xFFFF  }
0x1ca: {  	_ =	strace $0x90000047  }
0x1cb: {  	s31 =	stileid.u32;
	[bflag:$0x2] =	sbarrier.arrive $0xFFFF  }
0x1cc: {  	p0 =	sne.s32 s31, $0x0;
	s0 =	rddreg [dreg:$0x2]  }
0x1cd: {  	s0 =	sadd.s32 @!p0 $0x100000, s0  }
0x1ce: {  	[sflag:s0] =	ssyncadd.tile.s32 @!p0 $0x1;
	_ =	shalt  }
.LBB2_1:
0x1cf: {  	s10 =	simm.s32 $0x180;
	s8 =	simm.s32 $0x200  }
0x1d0: {  	s30 =	simm.s32 $0x280;
	s29 =	simm.s32 $0x300;
	s28 =	simm.s32 $0x380  }
0x1d1: {  	s26 =	simm.s32 $0x400;
	s25 =	simm.s32 $0x480;
	s24 =	simm.s32 $0x500  }
.Ltmp3:
0x1d2: {  	s23 =	simm.s32 $0x580;
	s22 =	simm.s32 $0x600;
	(pc) =	sbr.rel .LBB2_6-.Ltmp3, $4  }
0x1d3: {  	s21 =	simm.s32 $0x680;
	s20 =	simm.s32 $0x700;
	s19 =	simm.s32 $0x780  }
0x1d4: {  	s18 =	simm.s32 $0x800;
	s17 =	simm.s32 $0x880;
	s16 =	simm.s32 $0xA80  }
0x1d5: {  	s15 =	simm.s32 $0x900;
	s14 =	simm.s32 $0xB00;
	s13 =	simm.s32 $0x980  }
0x1d6: {  	s12 =	simm.s32 $0xB80;
	s11 =	simm.s32 $0xA00;
	s9 =	simm.s32 $0xC00  }
.LBB2_7:
0x1d7: {  	s10 =	simm.s32 $0x180;
	s8 =	simm.s32 $0x200  }
0x1d8: {  	s30 =	simm.s32 $0x280;
	s29 =	simm.s32 $0x300;
	s28 =	simm.s32 $0x380  }
0x1d9: {  	s26 =	simm.s32 $0x400;
	s25 =	simm.s32 $0x480;
	s24 =	simm.s32 $0x500  }
.Ltmp4:
0x1da: {  	s23 =	simm.s32 $0x580;
	s22 =	simm.s32 $0x600;
	(pc) =	sbr.rel .LBB2_6-.Ltmp4, $4  }
0x1db: {  	s21 =	simm.s32 $0x680;
	s20 =	simm.s32 $0x700;
	s19 =	simm.s32 $0x780  }
0x1dc: {  	s18 =	simm.s32 $0x800;
	s17 =	simm.s32 $0x880;
	s16 =	simm.s32 $0xA80  }
0x1dd: {  	s15 =	simm.s32 $0x900;
	s14 =	simm.s32 $0xB00;
	s13 =	simm.s32 $0x980  }
0x1de: {  	s12 =	simm.s32 $0xB80;
	s11 =	simm.s32 $0xA00;
	s9 =	simm.s32 $0xC00  }
.Lfunc_end2:
_tile_overlayer_lowered:
.L_overlay_start_2:
0x1df: {  	(tag) =	ssettag $0x2  }
0x1e0: {  	s0 =	rddreg [dreg:$0x0];
	s2 =	stileid.u32  }
0x1e1: {  	s1 =	rddreg [dreg:$0x1];
	p0 =	sne.s32 s2, $0x0  }
0x1e2: {  	s3 =	rddreg [dreg:$0x2];
	[bflag:$0x3] =	sbarrier.arrive $0xFFFF;
	s2 =	simm.s32 @!p0 $0x1C03  }
0x1e3: {  	[timem:s3], [sflag:s2] =	dma.local @!p0 [hbm:s0], s1  }
0x1e4: {  	s0 =	simm.s32 @!p0 $0x3  }
0x1e5: {  	_ =	swait.ge @!p0 [sflag:s0], s1  }
0x1e6: {  	s1 =	ssub.s32 @!p0 $0x0, s1;
	[sflag:s0] =	ssyncset.done @!p0 $0x0  }
0x1e7: {  	[sflag:s0] =	ssyncadd.s32 @!p0 s1  }
0x1e8: {  	[bflag:$0x3] =	sbarrier.arrive $0xFFFF  }
0x1e9: {  	_ =	shalt  }

</sc_bundles>
